<compile_context>
chip_gen: v7x
topology: tpu7x:2x2x1
jax: 0.10.2.dev20260603
libtpu: 0.0.44.dev20260713+nightly
codegen_flags: <defaults>
</compile_context>

<pallas_src>
import jax
import jax.numpy as jnp
from jax import lax
from jax.experimental import pallas as pl
from jax.experimental.pallas import tpu as pltpu
from jax.experimental.pallas import tpu_sc as plsc

X, Y, H = 256, 256, 16
N_COARSE = 16384
BT = 8
NC, NS = 2, 16
NW = NC * NS
PER_W = N_COARSE // NW
CHUNK = 128
NCHUNK = PER_W // CHUNK
SPAN = PER_W * H
NJ = N_COARSE * H

SCALE_XY = 102.4
DIST_XY = 51.2
SCALE_H = 8.0
DIST_H = 5.0

_GDN = lax.GatherDimensionNumbers(
    offset_dims=(), collapsed_slice_dims=(0,), start_index_map=(0,))


def _splat(vec, k):
    idx = jnp.full((16, 1), k, jnp.int32)
    return lax.gather(vec, idx, dimension_numbers=_GDN, slice_sizes=(1,),
                      mode=lax.GatherScatterMode.PROMISE_IN_BOUNDS)


def _sc_body(xtab, ytab, rnd, xexp_out, yexp_out,
             idx_v, rows_x, rows_y, xe, ye, gsem, osem):
    wid = lax.axis_index("s") * NC + lax.axis_index("c")
    base = wid * PER_W
    pltpu.sync_copy(rnd.at[pl.ds(base, PER_W)], idx_v)
    gathers = []
    for k in range(NCHUNK):
        sl = pl.ds(k * CHUNK, CHUNK)
        gathers.append(pltpu.async_copy(
            xtab.at[idx_v.at[sl]], rows_x.at[sl], gsem))
        gathers.append(pltpu.async_copy(
            ytab.at[idx_v.at[sl]], rows_y.at[sl], gsem))
    for g in gathers:
        g.wait()

    def body(i, carry):
        xv = rows_x[pl.ds(i * 16, 16)]
        yv = rows_y[pl.ds(i * 16, 16)]
        for k in range(16):
            sl = pl.ds((i * 16 + k) * H, H)
            xe[sl] = _splat(xv, k)
            ye[sl] = _splat(yv, k)
        return carry

    lax.fori_loop(0, PER_W // 16, body, 0)

    c1 = pltpu.async_copy(xe, xexp_out.at[0, pl.ds(base * H, SPAN)], osem)
    c2 = pltpu.async_copy(ye, yexp_out.at[0, pl.ds(base * H, SPAN)], osem)
    c1.wait()
    c2.wait()


TCW = NJ // 4


def _tc_heights(btzf_ref, btzi_ref, coords_ref, idx_ref):
    btzf = btzf_ref[0, 0]
    btzi = btzi_ref[0, 0]
    h = lax.broadcasted_iota(jnp.int32, (1, TCW), 1) & (H - 1)
    hf = h.astype(jnp.float32) * (1.0 / (H - 1))
    ch = hf * SCALE_H - DIST_H + btzf
    ih = h + btzi
    coords_ref[0] = jnp.broadcast_to(ch, (BT, TCW))
    idx_ref[0] = jnp.broadcast_to(ih, (BT, TCW))


def _tc_xy(xexp_ref, yexp_ref, btzf_ref, btzi_ref, c_in_ref, i_in_ref,
           coords_ref, idx_ref):
    del c_in_ref, i_in_ref
    btzf = btzf_ref[0, 0]
    btzi = btzi_ref[0, 0]
    xv = xexp_ref[...]
    yv = yexp_ref[...]
    cx = xv * SCALE_XY - DIST_XY + btzf
    cy = yv * SCALE_XY - DIST_XY + btzf
    ix = (xv * float(X - 1) + 0.5).astype(jnp.int32) + btzi
    iy = (yv * float(Y - 1) + 0.5).astype(jnp.int32) + btzi
    coords_ref[0] = jnp.broadcast_to(cx, (BT, TCW))
    coords_ref[1] = jnp.broadcast_to(cy, (BT, TCW))
    idx_ref[0] = jnp.broadcast_to(ix, (BT, TCW))
    idx_ref[1] = jnp.broadcast_to(iy, (BT, TCW))


def kernel(grid, rnd, bt):
    xtab = grid[:, :, 0].reshape(X * Y)
    ytab = grid[:, :, 1].reshape(X * Y)
    btz = (jnp.asarray(bt) - BT).astype(jnp.int32)
    btzi = btz.reshape(1, 1)
    btzf = btzi.astype(jnp.float32)

    mesh = plsc.VectorSubcoreMesh(
        core_axis_name="c", subcore_axis_name="s",
        num_cores=NC, num_subcores=NS)
    sc_run = pl.kernel(
        _sc_body,
        out_type=(
            jax.ShapeDtypeStruct((1, NJ), jnp.float32),
            jax.ShapeDtypeStruct((1, NJ), jnp.float32),
        ),
        mesh=mesh,
        scratch_types=[
            pltpu.VMEM((PER_W,), jnp.int32),
            pltpu.VMEM((PER_W,), jnp.float32),
            pltpu.VMEM((PER_W,), jnp.float32),
            pltpu.VMEM((SPAN,), jnp.float32),
            pltpu.VMEM((SPAN,), jnp.float32),
            pltpu.SemaphoreType.DMA,
            pltpu.SemaphoreType.DMA,
        ],
    )
    xexp, yexp = sc_run(xtab, ytab, rnd)

    coords_h, vidx_h = pl.pallas_call(
        _tc_heights,
        grid=(NJ // TCW,),
        in_specs=[
            pl.BlockSpec(memory_space=pltpu.SMEM),
            pl.BlockSpec(memory_space=pltpu.SMEM),
        ],
        out_specs=[
            pl.BlockSpec((1, BT, TCW), lambda n: (2, 0, n)),
            pl.BlockSpec((1, BT, TCW), lambda n: (2, 0, n)),
        ],
        out_shape=(
            jax.ShapeDtypeStruct((3, BT, NJ), jnp.float32),
            jax.ShapeDtypeStruct((3, BT, NJ), jnp.int32),
        ),
    )(btzf, btzi)

    coords, vidx = pl.pallas_call(
        _tc_xy,
        grid=(NJ // TCW,),
        in_specs=[
            pl.BlockSpec((1, TCW), lambda n: (0, n)),
            pl.BlockSpec((1, TCW), lambda n: (0, n)),
            pl.BlockSpec(memory_space=pltpu.SMEM),
            pl.BlockSpec(memory_space=pltpu.SMEM),
            pl.BlockSpec(memory_space=pl.ANY),
            pl.BlockSpec(memory_space=pl.ANY),
        ],
        out_specs=[
            pl.BlockSpec((2, BT, TCW), lambda n: (0, 0, n)),
            pl.BlockSpec((2, BT, TCW), lambda n: (0, 0, n)),
        ],
        out_shape=(
            jax.ShapeDtypeStruct((3, BT, NJ), jnp.float32),
            jax.ShapeDtypeStruct((3, BT, NJ), jnp.int32),
        ),
        input_output_aliases={4: 0, 5: 1},
    )(xexp, yexp, btzf, btzi, coords_h, vidx_h)
    return (coords.transpose(1, 0, 2), vidx.transpose(1, 0, 2))

# --- scband reference (transcript-rebuilt; emitter-appended) ---
"""Pipeline reference for scband-sampled-coord-selector-9380208575286 (READ-ONLY COPY).

The authoritative reference and input builder live on the scoring server;
editing this copy changes nothing except your own understanding.
"""

import jax, jax.numpy as jnp
import numpy as np

X, Y, H = 256, 256, 16
PC_RANGE = (-51.2, 51.2, -51.2, 51.2, -5.0, 3.0)
N_COARSE = 16384
BT = 8


def setup_inputs(seed: int = 0) -> dict:
    key = jax.random.key(seed)
    gx = jnp.linspace(0.0, 1.0, X)
    gy = jnp.linspace(0.0, 1.0, Y)
    mx, my = jnp.meshgrid(gx, gy, indexing='xy')
    grid = jnp.stack([mx, my], axis=-1).astype(jnp.float32)  # (Y, X, 2), mirrors grid_buffer
    rnd = jax.random.permutation(key, X * Y)[:N_COARSE].astype(jnp.int32)  # mirrors torch.randperm
    return {"grid": grid, "rnd": rnd, "bt": 8}


def reference(grid, rnd, bt):
    sb = PC_RANGE
    bt_zero = (jnp.asarray(bt) - BT)
    # repeat(grid, 'x y c -> b (x y) c', b=bt)
    pillars = jnp.broadcast_to(grid.reshape(1, X * Y, 2), (BT, X * Y, 2))
    # index_select along dim 1 with random permutation indices
    pillars = jnp.take(pillars, rnd, axis=1)  # (bt, n_coarse, 2)
    n_xy = pillars.shape[1]
    # repeat(pillars, 'bt xy c -> bt c (xy h)', h=H)
    pillars = jnp.transpose(pillars, (0, 2, 1))  # (bt, 2, n_xy)
    pillars = jnp.repeat(pillars, H, axis=-1)  # (bt, 2, n_xy*H)
    # repeat(pillar_heights, 'h -> bt 1 (xy h)', bt=bt, xy=n_xy)
    heights = jnp.linspace(0.0, 1.0, H, dtype=jnp.float32)
    heights = jnp.tile(heights, n_xy)
    heights = jnp.broadcast_to(heights.reshape(1, 1, n_xy * H), (BT, 1, n_xy * H))
    pillar_pts = jnp.concatenate([pillars, heights], axis=1)  # (bt, 3, n_xy*H)
    scale = jnp.array([sb[1] - sb[0], sb[3] - sb[2], sb[5] - sb[4]], dtype=jnp.float32).reshape(1, 3, 1)
    dist = jnp.array([abs(sb[0]), abs(sb[2]), abs(sb[4])], dtype=jnp.float32).reshape(1, 3, 1)
    vox_coords = pillar_pts * scale - dist + bt_zero.astype(jnp.float32)
    xyz = jnp.array([X - 1, Y - 1, H - 1], dtype=jnp.float32).reshape(1, 3, 1)
    vox_idx = jnp.round(pillar_pts * xyz).astype(jnp.int32) + bt_zero.astype(jnp.int32)
    return (vox_coords, vox_idx)

if __name__ == "__main__":
    import jax
    _d = setup_inputs()
    print(jax.jit(kernel)(*tuple(_d.values())))

</pallas_src>

<mosaic_0001>
#map = affine_map<(d0, d1) -> (0)>
#map1 = affine_map<(d0, d1) -> (0, 0)>
module attributes {stable_mosaic.version = 14 : i64} {
  func.func @_sc_body(%arg0: i32, %arg1: i32, %arg2: memref<65536xf32, #tpu.memory_space<hbm>>, %arg3: memref<65536xf32, #tpu.memory_space<hbm>>, %arg4: memref<16384xi32, #tpu.memory_space<hbm>>, %arg5: memref<1x262144xf32, #tpu.memory_space<hbm>>, %arg6: memref<1x262144xf32, #tpu.memory_space<hbm>>, %arg7: memref<512xi32, #tpu.memory_space<vmem>>, %arg8: memref<512xf32, #tpu.memory_space<vmem>>, %arg9: memref<512xf32, #tpu.memory_space<vmem>>, %arg10: memref<8192xf32, #tpu.memory_space<vmem>>, %arg11: memref<8192xf32, #tpu.memory_space<vmem>>, %arg12: memref<!tpu.dma_semaphore, #tpu.memory_space<semaphore_mem>>, %arg13: memref<!tpu.dma_semaphore, #tpu.memory_space<semaphore_mem>>) attributes {dimension_semantics = [#tpu.dimension_semantics<core_parallel>, #tpu.dimension_semantics<subcore_parallel>], iteration_bounds = array<i64: 2, 16>, scalar_prefetch = 0 : i64, scratch_operands = 7 : i64, tpu.core_type = #tpu.core_type<sc_vector_subcore>, window_params = [{transform_indices = #map}, {transform_indices = #map}, {transform_indices = #map}, {transform_indices = #map1}, {transform_indices = #map1}]} {
    %mul3A = arith.constant 2 : i32
    %mul3A_0 = arith.muli %arg1, %mul3A : i32
    %add3A = arith.addi %mul3A_0, %arg0 : i32
    %mul3A_1 = arith.constant 512 : i32
    %mul3A_2 = arith.muli %add3A, %mul3A_1 : i32
    "tpu.region"() ({
      %run_scoped3A = tpu.sem_alloc : memref<!tpu.dma_semaphore, #tpu.memory_space<semaphore_mem>>
      %dma_start3A_126 = tpu.memref_slice %arg4[%mul3A_2] : memref<16384xi32, #tpu.memory_space<hbm>> -> memref<512xi32, #tpu.memory_space<hbm>>
      %dma_start3A_127 = tpu.memref_slice %arg4[%mul3A_2] : memref<16384xi32, #tpu.memory_space<hbm>> -> memref<512xi32, #tpu.memory_space<hbm>>
      tpu.enqueue_dma source(%dma_start3A_127 : memref<512xi32, #tpu.memory_space<hbm>>) target(%arg7 : memref<512xi32, #tpu.memory_space<vmem>>) target_semaphore(%run_scoped3A : memref<!tpu.dma_semaphore, #tpu.memory_space<semaphore_mem>>)
      %dma_wait3A_128 = tpu.memref_slice %arg4[%mul3A_2] : memref<16384xi32, #tpu.memory_space<hbm>> -> memref<512xi32, #tpu.memory_space<hbm>>
      %dma_wait3A_129 = tpu.memref_slice %arg4[%mul3A_2] : memref<16384xi32, #tpu.memory_space<hbm>> -> memref<512xi32, #tpu.memory_space<hbm>>
      tpu.wait_dma2 semaphore(%run_scoped3A : memref<!tpu.dma_semaphore, #tpu.memory_space<semaphore_mem>>) src(%dma_wait3A_129 : memref<512xi32, #tpu.memory_space<hbm>>) dst(%arg7 : memref<512xi32, #tpu.memory_space<vmem>>)
      tpu.yield
    }) : () -> ()
    %dma_start3A = arith.constant 0 : i32
    %dma_start3A_3 = tpu.memref_slice %arg8[%dma_start3A] : memref<512xf32, #tpu.memory_space<vmem>> -> memref<128xf32, #tpu.memory_space<vmem>>
    %dma_start3A_4 = arith.constant 0 : i32
    %dma_start3A_5 = tpu.memref_slice %arg7[%dma_start3A_4] : memref<512xi32, #tpu.memory_space<vmem>> -> memref<128xi32, #tpu.memory_space<vmem>>
    %dma_start3A_6 = arith.constant 0 : i32
    %dma_start3A_7 = tpu.memref_slice %arg2[%dma_start3A_6] : memref<65536xf32, #tpu.memory_space<hbm>> -> memref<65536xf32, #tpu.memory_space<hbm>>
    tpu.enqueue_indirect_dma source(%dma_start3A_7 : memref<65536xf32, #tpu.memory_space<hbm>>) target(%dma_start3A_3 : memref<128xf32, #tpu.memory_space<vmem>>) offsets(%dma_start3A_5 : memref<128xi32, #tpu.memory_space<vmem>>) semaphore(%arg12 : memref<!tpu.dma_semaphore, #tpu.memory_space<semaphore_mem>>)
    %dma_start3A_8 = arith.constant 0 : i32
    %dma_start3A_9 = tpu.memref_slice %arg9[%dma_start3A_8] : memref<512xf32, #tpu.memory_space<vmem>> -> memref<128xf32, #tpu.memory_space<vmem>>
    %dma_start3A_10 = arith.constant 0 : i32
    %dma_start3A_11 = tpu.memref_slice %arg7[%dma_start3A_10] : memref<512xi32, #tpu.memory_space<vmem>> -> memref<128xi32, #tpu.memory_space<vmem>>
    %dma_start3A_12 = arith.constant 0 : i32
    %dma_start3A_13 = tpu.memref_slice %arg3[%dma_start3A_12] : memref<65536xf32, #tpu.memory_space<hbm>> -> memref<65536xf32, #tpu.memory_space<hbm>>
    tpu.enqueue_indirect_dma source(%dma_start3A_13 : memref<65536xf32, #tpu.memory_space<hbm>>) target(%dma_start3A_9 : memref<128xf32, #tpu.memory_space<vmem>>) offsets(%dma_start3A_11 : memref<128xi32, #tpu.memory_space<vmem>>) semaphore(%arg12 : memref<!tpu.dma_semaphore, #tpu.memory_space<semaphore_mem>>)
    %dma_start3A_14 = arith.constant 128 : i32
    %dma_start3A_15 = tpu.memref_slice %arg8[%dma_start3A_14] : memref<512xf32, #tpu.memory_space<vmem>> -> memref<128xf32, #tpu.memory_space<vmem>>
    %dma_start3A_16 = arith.constant 128 : i32
    %dma_start3A_17 = tpu.memref_slice %arg7[%dma_start3A_16] : memref<512xi32, #tpu.memory_space<vmem>> -> memref<128xi32, #tpu.memory_space<vmem>>
    %dma_start3A_18 = arith.constant 0 : i32
    %dma_start3A_19 = tpu.memref_slice %arg2[%dma_start3A_18] : memref<65536xf32, #tpu.memory_space<hbm>> -> memref<65536xf32, #tpu.memory_space<hbm>>
    tpu.enqueue_indirect_dma source(%dma_start3A_19 : memref<65536xf32, #tpu.memory_space<hbm>>) target(%dma_start3A_15 : memref<128xf32, #tpu.memory_space<vmem>>) offsets(%dma_start3A_17 : memref<128xi32, #tpu.memory_space<vmem>>) semaphore(%arg12 : memref<!tpu.dma_semaphore, #tpu.memory_space<semaphore_mem>>)
    %dma_start3A_20 = arith.constant 128 : i32
    %dma_start3A_21 = tpu.memref_slice %arg9[%dma_start3A_20] : memref<512xf32, #tpu.memory_space<vmem>> -> memref<128xf32, #tpu.memory_space<vmem>>
    %dma_start3A_22 = arith.constant 128 : i32
    %dma_start3A_23 = tpu.memref_slice %arg7[%dma_start3A_22] : memref<512xi32, #tpu.memory_space<vmem>> -> memref<128xi32, #tpu.memory_space<vmem>>
    %dma_start3A_24 = arith.constant 0 : i32
    %dma_start3A_25 = tpu.memref_slice %arg3[%dma_start3A_24] : memref<65536xf32, #tpu.memory_space<hbm>> -> memref<65536xf32, #tpu.memory_space<hbm>>
    tpu.enqueue_indirect_dma source(%dma_start3A_25 : memref<65536xf32, #tpu.memory_space<hbm>>) target(%dma_start3A_21 : memref<128xf32, #tpu.memory_space<vmem>>) offsets(%dma_start3A_23 : memref<128xi32, #tpu.memory_space<vmem>>) semaphore(%arg12 : memref<!tpu.dma_semaphore, #tpu.memory_space<semaphore_mem>>)
    %dma_start3A_26 = arith.constant 256 : i32
    %dma_start3A_27 = tpu.memref_slice %arg8[%dma_start3A_26] : memref<512xf32, #tpu.memory_space<vmem>> -> memref<128xf32, #tpu.memory_space<vmem>>
    %dma_start3A_28 = arith.constant 256 : i32
    %dma_start3A_29 = tpu.memref_slice %arg7[%dma_start3A_28] : memref<512xi32, #tpu.memory_space<vmem>> -> memref<128xi32, #tpu.memory_space<vmem>>
    %dma_start3A_30 = arith.constant 0 : i32
    %dma_start3A_31 = tpu.memref_slice %arg2[%dma_start3A_30] : memref<65536xf32, #tpu.memory_space<hbm>> -> memref<65536xf32, #tpu.memory_space<hbm>>
    tpu.enqueue_indirect_dma source(%dma_start3A_31 : memref<65536xf32, #tpu.memory_space<hbm>>) target(%dma_start3A_27 : memref<128xf32, #tpu.memory_space<vmem>>) offsets(%dma_start3A_29 : memref<128xi32, #tpu.memory_space<vmem>>) semaphore(%arg12 : memref<!tpu.dma_semaphore, #tpu.memory_space<semaphore_mem>>)
    %dma_start3A_32 = arith.constant 256 : i32
    %dma_start3A_33 = tpu.memref_slice %arg9[%dma_start3A_32] : memref<512xf32, #tpu.memory_space<vmem>> -> memref<128xf32, #tpu.memory_space<vmem>>
    %dma_start3A_34 = arith.constant 256 : i32
    %dma_start3A_35 = tpu.memref_slice %arg7[%dma_start3A_34] : memref<512xi32, #tpu.memory_space<vmem>> -> memref<128xi32, #tpu.memory_space<vmem>>
    %dma_start3A_36 = arith.constant 0 : i32
    %dma_start3A_37 = tpu.memref_slice %arg3[%dma_start3A_36] : memref<65536xf32, #tpu.memory_space<hbm>> -> memref<65536xf32, #tpu.memory_space<hbm>>
    tpu.enqueue_indirect_dma source(%dma_start3A_37 : memref<65536xf32, #tpu.memory_space<hbm>>) target(%dma_start3A_33 : memref<128xf32, #tpu.memory_space<vmem>>) offsets(%dma_start3A_35 : memref<128xi32, #tpu.memory_space<vmem>>) semaphore(%arg12 : memref<!tpu.dma_semaphore, #tpu.memory_space<semaphore_mem>>)
    %dma_start3A_38 = arith.constant 384 : i32
    %dma_start3A_39 = tpu.memref_slice %arg8[%dma_start3A_38] : memref<512xf32, #tpu.memory_space<vmem>> -> memref<128xf32, #tpu.memory_space<vmem>>
    %dma_start3A_40 = arith.constant 384 : i32
    %dma_start3A_41 = tpu.memref_slice %arg7[%dma_start3A_40] : memref<512xi32, #tpu.memory_space<vmem>> -> memref<128xi32, #tpu.memory_space<vmem>>
    %dma_start3A_42 = arith.constant 0 : i32
    %dma_start3A_43 = tpu.memref_slice %arg2[%dma_start3A_42] : memref<65536xf32, #tpu.memory_space<hbm>> -> memref<65536xf32, #tpu.memory_space<hbm>>
    tpu.enqueue_indirect_dma source(%dma_start3A_43 : memref<65536xf32, #tpu.memory_space<hbm>>) target(%dma_start3A_39 : memref<128xf32, #tpu.memory_space<vmem>>) offsets(%dma_start3A_41 : memref<128xi32, #tpu.memory_space<vmem>>) semaphore(%arg12 : memref<!tpu.dma_semaphore, #tpu.memory_space<semaphore_mem>>)
    %dma_start3A_44 = arith.constant 384 : i32
    %dma_start3A_45 = tpu.memref_slice %arg9[%dma_start3A_44] : memref<512xf32, #tpu.memory_space<vmem>> -> memref<128xf32, #tpu.memory_space<vmem>>
    %dma_start3A_46 = arith.constant 384 : i32
    %dma_start3A_47 = tpu.memref_slice %arg7[%dma_start3A_46] : memref<512xi32, #tpu.memory_space<vmem>> -> memref<128xi32, #tpu.memory_space<vmem>>
    %dma_start3A_48 = arith.constant 0 : i32
    %dma_start3A_49 = tpu.memref_slice %arg3[%dma_start3A_48] : memref<65536xf32, #tpu.memory_space<hbm>> -> memref<65536xf32, #tpu.memory_space<hbm>>
    tpu.enqueue_indirect_dma source(%dma_start3A_49 : memref<65536xf32, #tpu.memory_space<hbm>>) target(%dma_start3A_45 : memref<128xf32, #tpu.memory_space<vmem>>) offsets(%dma_start3A_47 : memref<128xi32, #tpu.memory_space<vmem>>) semaphore(%arg12 : memref<!tpu.dma_semaphore, #tpu.memory_space<semaphore_mem>>)
    %dma_wait3A = arith.constant 0 : i32
    %dma_wait3A_50 = tpu.memref_slice %arg8[%dma_wait3A] : memref<512xf32, #tpu.memory_space<vmem>> -> memref<128xf32, #tpu.memory_space<vmem>>
    %dma_wait3A_51 = arith.constant 0 : i32
    %dma_wait3A_52 = tpu.memref_slice %arg7[%dma_wait3A_51] : memref<512xi32, #tpu.memory_space<vmem>> -> memref<128xi32, #tpu.memory_space<vmem>>
    %dma_wait3A_53 = arith.constant 0 : i32
    %dma_wait3A_54 = tpu.memref_slice %arg2[%dma_wait3A_53] : memref<65536xf32, #tpu.memory_space<hbm>> -> memref<65536xf32, #tpu.memory_space<hbm>>
    tpu.wait_indirect_dma semaphore(%arg12 : memref<!tpu.dma_semaphore, #tpu.memory_space<semaphore_mem>>) src(%dma_wait3A_54 : memref<65536xf32, #tpu.memory_space<hbm>>) dst(%dma_wait3A_50 : memref<128xf32, #tpu.memory_space<vmem>>)
    %dma_wait3A_55 = arith.constant 0 : i32
    %dma_wait3A_56 = tpu.memref_slice %arg9[%dma_wait3A_55] : memref<512xf32, #tpu.memory_space<vmem>> -> memref<128xf32, #tpu.memory_space<vmem>>
    %dma_wait3A_57 = arith.constant 0 : i32
    %dma_wait3A_58 = tpu.memref_slice %arg7[%dma_wait3A_57] : memref<512xi32, #tpu.memory_space<vmem>> -> memref<128xi32, #tpu.memory_space<vmem>>
    %dma_wait3A_59 = arith.constant 0 : i32
    %dma_wait3A_60 = tpu.memref_slice %arg3[%dma_wait3A_59] : memref<65536xf32, #tpu.memory_space<hbm>> -> memref<65536xf32, #tpu.memory_space<hbm>>
    tpu.wait_indirect_dma semaphore(%arg12 : memref<!tpu.dma_semaphore, #tpu.memory_space<semaphore_mem>>) src(%dma_wait3A_60 : memref<65536xf32, #tpu.memory_space<hbm>>) dst(%dma_wait3A_56 : memref<128xf32, #tpu.memory_space<vmem>>)
    %dma_wait3A_61 = arith.constant 128 : i32
    %dma_wait3A_62 = tpu.memref_slice %arg8[%dma_wait3A_61] : memref<512xf32, #tpu.memory_space<vmem>> -> memref<128xf32, #tpu.memory_space<vmem>>
    %dma_wait3A_63 = arith.constant 128 : i32
    %dma_wait3A_64 = tpu.memref_slice %arg7[%dma_wait3A_63] : memref<512xi32, #tpu.memory_space<vmem>> -> memref<128xi32, #tpu.memory_space<vmem>>
    %dma_wait3A_65 = arith.constant 0 : i32
    %dma_wait3A_66 = tpu.memref_slice %arg2[%dma_wait3A_65] : memref<65536xf32, #tpu.memory_space<hbm>> -> memref<65536xf32, #tpu.memory_space<hbm>>
    tpu.wait_indirect_dma semaphore(%arg12 : memref<!tpu.dma_semaphore, #tpu.memory_space<semaphore_mem>>) src(%dma_wait3A_66 : memref<65536xf32, #tpu.memory_space<hbm>>) dst(%dma_wait3A_62 : memref<128xf32, #tpu.memory_space<vmem>>)
    %dma_wait3A_67 = arith.constant 128 : i32
    %dma_wait3A_68 = tpu.memref_slice %arg9[%dma_wait3A_67] : memref<512xf32, #tpu.memory_space<vmem>> -> memref<128xf32, #tpu.memory_space<vmem>>
    %dma_wait3A_69 = arith.constant 128 : i32
    %dma_wait3A_70 = tpu.memref_slice %arg7[%dma_wait3A_69] : memref<512xi32, #tpu.memory_space<vmem>> -> memref<128xi32, #tpu.memory_space<vmem>>
    %dma_wait3A_71 = arith.constant 0 : i32
    %dma_wait3A_72 = tpu.memref_slice %arg3[%dma_wait3A_71] : memref<65536xf32, #tpu.memory_space<hbm>> -> memref<65536xf32, #tpu.memory_space<hbm>>
    tpu.wait_indirect_dma semaphore(%arg12 : memref<!tpu.dma_semaphore, #tpu.memory_space<semaphore_mem>>) src(%dma_wait3A_72 : memref<65536xf32, #tpu.memory_space<hbm>>) dst(%dma_wait3A_68 : memref<128xf32, #tpu.memory_space<vmem>>)
    %dma_wait3A_73 = arith.constant 256 : i32
    %dma_wait3A_74 = tpu.memref_slice %arg8[%dma_wait3A_73] : memref<512xf32, #tpu.memory_space<vmem>> -> memref<128xf32, #tpu.memory_space<vmem>>
    %dma_wait3A_75 = arith.constant 256 : i32
    %dma_wait3A_76 = tpu.memref_slice %arg7[%dma_wait3A_75] : memref<512xi32, #tpu.memory_space<vmem>> -> memref<128xi32, #tpu.memory_space<vmem>>
    %dma_wait3A_77 = arith.constant 0 : i32
    %dma_wait3A_78 = tpu.memref_slice %arg2[%dma_wait3A_77] : memref<65536xf32, #tpu.memory_space<hbm>> -> memref<65536xf32, #tpu.memory_space<hbm>>
    tpu.wait_indirect_dma semaphore(%arg12 : memref<!tpu.dma_semaphore, #tpu.memory_space<semaphore_mem>>) src(%dma_wait3A_78 : memref<65536xf32, #tpu.memory_space<hbm>>) dst(%dma_wait3A_74 : memref<128xf32, #tpu.memory_space<vmem>>)
    %dma_wait3A_79 = arith.constant 256 : i32
    %dma_wait3A_80 = tpu.memref_slice %arg9[%dma_wait3A_79] : memref<512xf32, #tpu.memory_space<vmem>> -> memref<128xf32, #tpu.memory_space<vmem>>
    %dma_wait3A_81 = arith.constant 256 : i32
    %dma_wait3A_82 = tpu.memref_slice %arg7[%dma_wait3A_81] : memref<512xi32, #tpu.memory_space<vmem>> -> memref<128xi32, #tpu.memory_space<vmem>>
    %dma_wait3A_83 = arith.constant 0 : i32
    %dma_wait3A_84 = tpu.memref_slice %arg3[%dma_wait3A_83] : memref<65536xf32, #tpu.memory_space<hbm>> -> memref<65536xf32, #tpu.memory_space<hbm>>
    tpu.wait_indirect_dma semaphore(%arg12 : memref<!tpu.dma_semaphore, #tpu.memory_space<semaphore_mem>>) src(%dma_wait3A_84 : memref<65536xf32, #tpu.memory_space<hbm>>) dst(%dma_wait3A_80 : memref<128xf32, #tpu.memory_space<vmem>>)
    %dma_wait3A_85 = arith.constant 384 : i32
    %dma_wait3A_86 = tpu.memref_slice %arg8[%dma_wait3A_85] : memref<512xf32, #tpu.memory_space<vmem>> -> memref<128xf32, #tpu.memory_space<vmem>>
    %dma_wait3A_87 = arith.constant 384 : i32
    %dma_wait3A_88 = tpu.memref_slice %arg7[%dma_wait3A_87] : memref<512xi32, #tpu.memory_space<vmem>> -> memref<128xi32, #tpu.memory_space<vmem>>
    %dma_wait3A_89 = arith.constant 0 : i32
    %dma_wait3A_90 = tpu.memref_slice %arg2[%dma_wait3A_89] : memref<65536xf32, #tpu.memory_space<hbm>> -> memref<65536xf32, #tpu.memory_space<hbm>>
    tpu.wait_indirect_dma semaphore(%arg12 : memref<!tpu.dma_semaphore, #tpu.memory_space<semaphore_mem>>) src(%dma_wait3A_90 : memref<65536xf32, #tpu.memory_space<hbm>>) dst(%dma_wait3A_86 : memref<128xf32, #tpu.memory_space<vmem>>)
    %dma_wait3A_91 = arith.constant 384 : i32
    %dma_wait3A_92 = tpu.memref_slice %arg9[%dma_wait3A_91] : memref<512xf32, #tpu.memory_space<vmem>> -> memref<128xf32, #tpu.memory_space<vmem>>
    %dma_wait3A_93 = arith.constant 384 : i32
    %dma_wait3A_94 = tpu.memref_slice %arg7[%dma_wait3A_93] : memref<512xi32, #tpu.memory_space<vmem>> -> memref<128xi32, #tpu.memory_space<vmem>>
    %dma_wait3A_95 = arith.constant 0 : i32
    %dma_wait3A_96 = tpu.memref_slice %arg3[%dma_wait3A_95] : memref<65536xf32, #tpu.memory_space<hbm>> -> memref<65536xf32, #tpu.memory_space<hbm>>
    tpu.wait_indirect_dma semaphore(%arg12 : memref<!tpu.dma_semaphore, #tpu.memory_space<semaphore_mem>>) src(%dma_wait3A_96 : memref<65536xf32, #tpu.memory_space<hbm>>) dst(%dma_wait3A_92 : memref<128xf32, #tpu.memory_space<vmem>>)
    %scan3A = arith.constant 0 : i32
    %scan3A_97 = arith.constant 0 : i32
    %scan3A_98 = arith.constant 32 : i32
    %scan3A_99 = arith.addi %scan3A_97, %scan3A_98 : i32
    %scan3A_100 = arith.constant 1 : i32
    scf.for %scan3A_126 = %scan3A_97 to %scan3A_99 step %scan3A_100  : i32 {
      %mul3A_127 = arith.constant 16 : i32
      %mul3A_128 = arith.muli %scan3A_126, %mul3A_127 : i32
      %get3A = arith.index_cast %mul3A_128 : i32 to index
      %get3A_129 = tpu.vector_load %arg8[%get3A] {strides = array<i32>} : memref<512xf32, #tpu.memory_space<vmem>>, vector<16xf32>,
      %get3A_130 = vector.shape_cast %get3A_129 : vector<16xf32> to vector<16xf32>
      %mul3A_131 = arith.constant 16 : i32
      %mul3A_132 = arith.muli %scan3A_126, %mul3A_131 : i32
      %get3A_133 = arith.index_cast %mul3A_132 : i32 to index
      %get3A_134 = tpu.vector_load %arg9[%get3A_133] {strides = array<i32>} : memref<512xf32, #tpu.memory_space<vmem>>, vector<16xf32>,
      %get3A_135 = vector.shape_cast %get3A_134 : vector<16xf32> to vector<16xf32>
      %mul3A_136 = arith.constant 16 : i32
      %mul3A_137 = arith.muli %scan3A_126, %mul3A_136 : i32
      %add3A_138 = arith.constant 0 : i32
      %add3A_139 = arith.addi %mul3A_137, %add3A_138 : i32
      %mul3A_140 = arith.constant 16 : i32
      %mul3A_141 = arith.muli %add3A_139, %mul3A_140 : i32
      %broadcast_in_dim3A = arith.constant 0 : i32
      %broadcast_in_dim3A_142 = vector.broadcast %broadcast_in_dim3A : i32 to vector<16x1xi32>
      %gather3A = vector.shape_cast %broadcast_in_dim3A_142 : vector<16x1xi32> to vector<16xi32>
      %gather3A_143 = tpu.dynamic_gather %get3A_130[%gather3A] in [0] : vector<16xf32>, vector<16xi32> -> vector<16xf32>
      %swap3A = arith.index_cast %mul3A_141 : i32 to index
      %swap3A_144 = tpu.vector_load %arg10[%swap3A] {strides = array<i32>} : memref<8192xf32, #tpu.memory_space<vmem>>, vector<16xf32>,
      %swap3A_145 = vector.shape_cast %swap3A_144 : vector<16xf32> to vector<16xf32>
      %swap3A_146 = vector.shape_cast %gather3A_143 : vector<16xf32> to vector<16xf32>
      tpu.vector_store %arg10[%swap3A], %swap3A_146 {strides = array<i32>} : memref<8192xf32, #tpu.memory_space<vmem>>, vector<16xf32>,
      %broadcast_in_dim3A_147 = arith.constant 0 : i32
      %broadcast_in_dim3A_148 = vector.broadcast %broadcast_in_dim3A_147 : i32 to vector<16x1xi32>
      %gather3A_149 = vector.shape_cast %broadcast_in_dim3A_148 : vector<16x1xi32> to vector<16xi32>
      %gather3A_150 = tpu.dynamic_gather %get3A_135[%gather3A_149] in [0] : vector<16xf32>, vector<16xi32> -> vector<16xf32>
      %swap3A_151 = arith.index_cast %mul3A_141 : i32 to index
      %swap3A_152 = tpu.vector_load %arg11[%swap3A_151] {strides = array<i32>} : memref<8192xf32, #tpu.memory_space<vmem>>, vector<16xf32>,
      %swap3A_153 = vector.shape_cast %swap3A_152 : vector<16xf32> to vector<16xf32>
      %swap3A_154 = vector.shape_cast %gather3A_150 : vector<16xf32> to vector<16xf32>
      tpu.vector_store %arg11[%swap3A_151], %swap3A_154 {strides = array<i32>} : memref<8192xf32, #tpu.memory_space<vmem>>, vector<16xf32>,
      %mul3A_155 = arith.constant 16 : i32
      %mul3A_156 = arith.muli %scan3A_126, %mul3A_155 : i32
      %add3A_157 = arith.constant 1 : i32
      %add3A_158 = arith.addi %mul3A_156, %add3A_157 : i32
      %mul3A_159 = arith.constant 16 : i32
      %mul3A_160 = arith.muli %add3A_158, %mul3A_159 : i32
      %broadcast_in_dim3A_161 = arith.constant 1 : i32
      %broadcast_in_dim3A_162 = vector.broadcast %broadcast_in_dim3A_161 : i32 to vector<16x1xi32>
      %gather3A_163 = vector.shape_cast %broadcast_in_dim3A_162 : vector<16x1xi32> to vector<16xi32>
      %gather3A_164 = tpu.dynamic_gather %get3A_130[%gather3A_163] in [0] : vector<16xf32>, vector<16xi32> -> vector<16xf32>
      %swap3A_165 = arith.index_cast %mul3A_160 : i32 to index
      %swap3A_166 = tpu.vector_load %arg10[%swap3A_165] {strides = array<i32>} : memref<8192xf32, #tpu.memory_space<vmem>>, vector<16xf32>,
      %swap3A_167 = vector.shape_cast %swap3A_166 : vector<16xf32> to vector<16xf32>
      %swap3A_168 = vector.shape_cast %gather3A_164 : vector<16xf32> to vector<16xf32>
      tpu.vector_store %arg10[%swap3A_165], %swap3A_168 {strides = array<i32>} : memref<8192xf32, #tpu.memory_space<vmem>>, vector<16xf32>,
      %broadcast_in_dim3A_169 = arith.constant 1 : i32
      %broadcast_in_dim3A_170 = vector.broadcast %broadcast_in_dim3A_169 : i32 to vector<16x1xi32>
      %gather3A_171 = vector.shape_cast %broadcast_in_dim3A_170 : vector<16x1xi32> to vector<16xi32>
      %gather3A_172 = tpu.dynamic_gather %get3A_135[%gather3A_171] in [0] : vector<16xf32>, vector<16xi32> -> vector<16xf32>
      %swap3A_173 = arith.index_cast %mul3A_160 : i32 to index
      %swap3A_174 = tpu.vector_load %arg11[%swap3A_173] {strides = array<i32>} : memref<8192xf32, #tpu.memory_space<vmem>>, vector<16xf32>,
      %swap3A_175 = vector.shape_cast %swap3A_174 : vector<16xf32> to vector<16xf32>
      %swap3A_176 = vector.shape_cast %gather3A_172 : vector<16xf32> to vector<16xf32>
      tpu.vector_store %arg11[%swap3A_173], %swap3A_176 {strides = array<i32>} : memref<8192xf32, #tpu.memory_space<vmem>>, vector<16xf32>,
      %mul3A_177 = arith.constant 16 : i32
      %mul3A_178 = arith.muli %scan3A_126, %mul3A_177 : i32
      %add3A_179 = arith.constant 2 : i32
      %add3A_180 = arith.addi %mul3A_178, %add3A_179 : i32
      %mul3A_181 = arith.constant 16 : i32
      %mul3A_182 = arith.muli %add3A_180, %mul3A_181 : i32
      %broadcast_in_dim3A_183 = arith.constant 2 : i32
      %broadcast_in_dim3A_184 = vector.broadcast %broadcast_in_dim3A_183 : i32 to vector<16x1xi32>
      %gather3A_185 = vector.shape_cast %broadcast_in_dim3A_184 : vector<16x1xi32> to vector<16xi32>
      %gather3A_186 = tpu.dynamic_gather %get3A_130[%gather3A_185] in [0] : vector<16xf32>, vector<16xi32> -> vector<16xf32>
      %swap3A_187 = arith.index_cast %mul3A_182 : i32 to index
      %swap3A_188 = tpu.vector_load %arg10[%swap3A_187] {strides = array<i32>} : memref<8192xf32, #tpu.memory_space<vmem>>, vector<16xf32>,
      %swap3A_189 = vector.shape_cast %swap3A_188 : vector<16xf32> to vector<16xf32>
      %swap3A_190 = vector.shape_cast %gather3A_186 : vector<16xf32> to vector<16xf32>
      tpu.vector_store %arg10[%swap3A_187], %swap3A_190 {strides = array<i32>} : memref<8192xf32, #tpu.memory_space<vmem>>, vector<16xf32>,
      %broadcast_in_dim3A_191 = arith.constant 2 : i32
      %broadcast_in_dim3A_192 = vector.broadcast %broadcast_in_dim3A_191 : i32 to vector<16x1xi32>
      %gather3A_193 = vector.shape_cast %broadcast_in_dim3A_192 : vector<16x1xi32> to vector<16xi32>
      %gather3A_194 = tpu.dynamic_gather %get3A_135[%gather3A_193] in [0] : vector<16xf32>, vector<16xi32> -> vector<16xf32>
      %swap3A_195 = arith.index_cast %mul3A_182 : i32 to index
      %swap3A_196 = tpu.vector_load %arg11[%swap3A_195] {strides = array<i32>} : memref<8192xf32, #tpu.memory_space<vmem>>, vector<16xf32>,
      %swap3A_197 = vector.shape_cast %swap3A_196 : vector<16xf32> to vector<16xf32>
      %swap3A_198 = vector.shape_cast %gather3A_194 : vector<16xf32> to vector<16xf32>
      tpu.vector_store %arg11[%swap3A_195], %swap3A_198 {strides = array<i32>} : memref<8192xf32, #tpu.memory_space<vmem>>, vector<16xf32>,
      %mul3A_199 = arith.constant 16 : i32
      %mul3A_200 = arith.muli %scan3A_126, %mul3A_199 : i32
      %add3A_201 = arith.constant 3 : i32
      %add3A_202 = arith.addi %mul3A_200, %add3A_201 : i32
      %mul3A_203 = arith.constant 16 : i32
      %mul3A_204 = arith.muli %add3A_202, %mul3A_203 : i32
      %broadcast_in_dim3A_205 = arith.constant 3 : i32
      %broadcast_in_dim3A_206 = vector.broadcast %broadcast_in_dim3A_205 : i32 to vector<16x1xi32>
      %gather3A_207 = vector.shape_cast %broadcast_in_dim3A_206 : vector<16x1xi32> to vector<16xi32>
      %gather3A_208 = tpu.dynamic_gather %get3A_130[%gather3A_207] in [0] : vector<16xf32>, vector<16xi32> -> vector<16xf32>
      %swap3A_209 = arith.index_cast %mul3A_204 : i32 to index
      %swap3A_210 = tpu.vector_load %arg10[%swap3A_209] {strides = array<i32>} : memref<8192xf32, #tpu.memory_space<vmem>>, vector<16xf32>,
      %swap3A_211 = vector.shape_cast %swap3A_210 : vector<16xf32> to vector<16xf32>
      %swap3A_212 = vector.shape_cast %gather3A_208 : vector<16xf32> to vector<16xf32>
      tpu.vector_store %arg10[%swap3A_209], %swap3A_212 {strides = array<i32>} : memref<8192xf32, #tpu.memory_space<vmem>>, vector<16xf32>,
      %broadcast_in_dim3A_213 = arith.constant 3 : i32
      %broadcast_in_dim3A_214 = vector.broadcast %broadcast_in_dim3A_213 : i32 to vector<16x1xi32>
      %gather3A_215 = vector.shape_cast %broadcast_in_dim3A_214 : vector<16x1xi32> to vector<16xi32>
      %gather3A_216 = tpu.dynamic_gather %get3A_135[%gather3A_215] in [0] : vector<16xf32>, vector<16xi32> -> vector<16xf32>
      %swap3A_217 = arith.index_cast %mul3A_204 : i32 to index
      %swap3A_218 = tpu.vector_load %arg11[%swap3A_217] {strides = array<i32>} : memref<8192xf32, #tpu.memory_space<vmem>>, vector<16xf32>,
      %swap3A_219 = vector.shape_cast %swap3A_218 : vector<16xf32> to vector<16xf32>
      %swap3A_220 = vector.shape_cast %gather3A_216 : vector<16xf32> to vector<16xf32>
      tpu.vector_store %arg11[%swap3A_217], %swap3A_220 {strides = array<i32>} : memref<8192xf32, #tpu.memory_space<vmem>>, vector<16xf32>,
      %mul3A_221 = arith.constant 16 : i32
      %mul3A_222 = arith.muli %scan3A_126, %mul3A_221 : i32
      %add3A_223 = arith.constant 4 : i32
      %add3A_224 = arith.addi %mul3A_222, %add3A_223 : i32
      %mul3A_225 = arith.constant 16 : i32
      %mul3A_226 = arith.muli %add3A_224, %mul3A_225 : i32
      %broadcast_in_dim3A_227 = arith.constant 4 : i32
      %broadcast_in_dim3A_228 = vector.broadcast %broadcast_in_dim3A_227 : i32 to vector<16x1xi32>
      %gather3A_229 = vector.shape_cast %broadcast_in_dim3A_228 : vector<16x1xi32> to vector<16xi32>
      %gather3A_230 = tpu.dynamic_gather %get3A_130[%gather3A_229] in [0] : vector<16xf32>, vector<16xi32> -> vector<16xf32>
      %swap3A_231 = arith.index_cast %mul3A_226 : i32 to index
      %swap3A_232 = tpu.vector_load %arg10[%swap3A_231] {strides = array<i32>} : memref<8192xf32, #tpu.memory_space<vmem>>, vector<16xf32>,
      %swap3A_233 = vector.shape_cast %swap3A_232 : vector<16xf32> to vector<16xf32>
      %swap3A_234 = vector.shape_cast %gather3A_230 : vector<16xf32> to vector<16xf32>
      tpu.vector_store %arg10[%swap3A_231], %swap3A_234 {strides = array<i32>} : memref<8192xf32, #tpu.memory_space<vmem>>, vector<16xf32>,
      %broadcast_in_dim3A_235 = arith.constant 4 : i32
      %broadcast_in_dim3A_236 = vector.broadcast %broadcast_in_dim3A_235 : i32 to vector<16x1xi32>
      %gather3A_237 = vector.shape_cast %broadcast_in_dim3A_236 : vector<16x1xi32> to vector<16xi32>
      %gather3A_238 = tpu.dynamic_gather %get3A_135[%gather3A_237] in [0] : vector<16xf32>, vector<16xi32> -> vector<16xf32>
      %swap3A_239 = arith.index_cast %mul3A_226 : i32 to index
      %swap3A_240 = tpu.vector_load %arg11[%swap3A_239] {strides = array<i32>} : memref<8192xf32, #tpu.memory_space<vmem>>, vector<16xf32>,
      %swap3A_241 = vector.shape_cast %swap3A_240 : vector<16xf32> to vector<16xf32>
      %swap3A_242 = vector.shape_cast %gather3A_238 : vector<16xf32> to vector<16xf32>
      tpu.vector_store %arg11[%swap3A_239], %swap3A_242 {strides = array<i32>} : memref<8192xf32, #tpu.memory_space<vmem>>, vector<16xf32>,
      %mul3A_243 = arith.constant 16 : i32
      %mul3A_244 = arith.muli %scan3A_126, %mul3A_243 : i32
      %add3A_245 = arith.constant 5 : i32
      %add3A_246 = arith.addi %mul3A_244, %add3A_245 : i32
      %mul3A_247 = arith.constant 16 : i32
      %mul3A_248 = arith.muli %add3A_246, %mul3A_247 : i32
      %broadcast_in_dim3A_249 = arith.constant 5 : i32
      %broadcast_in_dim3A_250 = vector.broadcast %broadcast_in_dim3A_249 : i32 to vector<16x1xi32>
      %gather3A_251 = vector.shape_cast %broadcast_in_dim3A_250 : vector<16x1xi32> to vector<16xi32>
      %gather3A_252 = tpu.dynamic_gather %get3A_130[%gather3A_251] in [0] : vector<16xf32>, vector<16xi32> -> vector<16xf32>
      %swap3A_253 = arith.index_cast %mul3A_248 : i32 to index
      %swap3A_254 = tpu.vector_load %arg10[%swap3A_253] {strides = array<i32>} : memref<8192xf32, #tpu.memory_space<vmem>>, vector<16xf32>,
      %swap3A_255 = vector.shape_cast %swap3A_254 : vector<16xf32> to vector<16xf32>
      %swap3A_256 = vector.shape_cast %gather3A_252 : vector<16xf32> to vector<16xf32>
      tpu.vector_store %arg10[%swap3A_253], %swap3A_256 {strides = array<i32>} : memref<8192xf32, #tpu.memory_space<vmem>>, vector<16xf32>,
      %broadcast_in_dim3A_257 = arith.constant 5 : i32
      %broadcast_in_dim3A_258 = vector.broadcast %broadcast_in_dim3A_257 : i32 to vector<16x1xi32>
      %gather3A_259 = vector.shape_cast %broadcast_in_dim3A_258 : vector<16x1xi32> to vector<16xi32>
      %gather3A_260 = tpu.dynamic_gather %get3A_135[%gather3A_259] in [0] : vector<16xf32>, vector<16xi32> -> vector<16xf32>
      %swap3A_261 = arith.index_cast %mul3A_248 : i32 to index
      %swap3A_262 = tpu.vector_load %arg11[%swap3A_261] {strides = array<i32>} : memref<8192xf32, #tpu.memory_space<vmem>>, vector<16xf32>,
      %swap3A_263 = vector.shape_cast %swap3A_262 : vector<16xf32> to vector<16xf32>
      %swap3A_264 = vector.shape_cast %gather3A_260 : vector<16xf32> to vector<16xf32>
      tpu.vector_store %arg11[%swap3A_261], %swap3A_264 {strides = array<i32>} : memref<8192xf32, #tpu.memory_space<vmem>>, vector<16xf32>,
      %mul3A_265 = arith.constant 16 : i32
      %mul3A_266 = arith.muli %scan3A_126, %mul3A_265 : i32
      %add3A_267 = arith.constant 6 : i32
      %add3A_268 = arith.addi %mul3A_266, %add3A_267 : i32
      %mul3A_269 = arith.constant 16 : i32
      %mul3A_270 = arith.muli %add3A_268, %mul3A_269 : i32
      %broadcast_in_dim3A_271 = arith.constant 6 : i32
      %broadcast_in_dim3A_272 = vector.broadcast %broadcast_in_dim3A_271 : i32 to vector<16x1xi32>
      %gather3A_273 = vector.shape_cast %broadcast_in_dim3A_272 : vector<16x1xi32> to vector<16xi32>
      %gather3A_274 = tpu.dynamic_gather %get3A_130[%gather3A_273] in [0] : vector<16xf32>, vector<16xi32> -> vector<16xf32>
      %swap3A_275 = arith.index_cast %mul3A_270 : i32 to index
      %swap3A_276 = tpu.vector_load %arg10[%swap3A_275] {strides = array<i32>} : memref<8192xf32, #tpu.memory_space<vmem>>, vector<16xf32>,
      %swap3A_277 = vector.shape_cast %swap3A_276 : vector<16xf32> to vector<16xf32>
      %swap3A_278 = vector.shape_cast %gather3A_274 : vector<16xf32> to vector<16xf32>
      tpu.vector_store %arg10[%swap3A_275], %swap3A_278 {strides = array<i32>} : memref<8192xf32, #tpu.memory_space<vmem>>, vector<16xf32>,
      %broadcast_in_dim3A_279 = arith.constant 6 : i32
      %broadcast_in_dim3A_280 = vector.broadcast %broadcast_in_dim3A_279 : i32 to vector<16x1xi32>
      %gather3A_281 = vector.shape_cast %broadcast_in_dim3A_280 : vector<16x1xi32> to vector<16xi32>
      %gather3A_282 = tpu.dynamic_gather %get3A_135[%gather3A_281] in [0] : vector<16xf32>, vector<16xi32> -> vector<16xf32>
      %swap3A_283 = arith.index_cast %mul3A_270 : i32 to index
      %swap3A_284 = tpu.vector_load %arg11[%swap3A_283] {strides = array<i32>} : memref<8192xf32, #tpu.memory_space<vmem>>, vector<16xf32>,
      %swap3A_285 = vector.shape_cast %swap3A_284 : vector<16xf32> to vector<16xf32>
      %swap3A_286 = vector.shape_cast %gather3A_282 : vector<16xf32> to vector<16xf32>
      tpu.vector_store %arg11[%swap3A_283], %swap3A_286 {strides = array<i32>} : memref<8192xf32, #tpu.memory_space<vmem>>, vector<16xf32>,
      %mul3A_287 = arith.constant 16 : i32
      %mul3A_288 = arith.muli %scan3A_126, %mul3A_287 : i32
      %add3A_289 = arith.constant 7 : i32
      %add3A_290 = arith.addi %mul3A_288, %add3A_289 : i32
      %mul3A_291 = arith.constant 16 : i32
      %mul3A_292 = arith.muli %add3A_290, %mul3A_291 : i32
      %broadcast_in_dim3A_293 = arith.constant 7 : i32
      %broadcast_in_dim3A_294 = vector.broadcast %broadcast_in_dim3A_293 : i32 to vector<16x1xi32>
      %gather3A_295 = vector.shape_cast %broadcast_in_dim3A_294 : vector<16x1xi32> to vector<16xi32>
      %gather3A_296 = tpu.dynamic_gather %get3A_130[%gather3A_295] in [0] : vector<16xf32>, vector<16xi32> -> vector<16xf32>
      %swap3A_297 = arith.index_cast %mul3A_292 : i32 to index
      %swap3A_298 = tpu.vector_load %arg10[%swap3A_297] {strides = array<i32>} : memref<8192xf32, #tpu.memory_space<vmem>>, vector<16xf32>,
      %swap3A_299 = vector.shape_cast %swap3A_298 : vector<16xf32> to vector<16xf32>
      %swap3A_300 = vector.shape_cast %gather3A_296 : vector<16xf32> to vector<16xf32>
      tpu.vector_store %arg10[%swap3A_297], %swap3A_300 {strides = array<i32>} : memref<8192xf32, #tpu.memory_space<vmem>>, vector<16xf32>,
      %broadcast_in_dim3A_301 = arith.constant 7 : i32
      %broadcast_in_dim3A_302 = vector.broadcast %broadcast_in_dim3A_301 : i32 to vector<16x1xi32>
      %gather3A_303 = vector.shape_cast %broadcast_in_dim3A_302 : vector<16x1xi32> to vector<16xi32>
      %gather3A_304 = tpu.dynamic_gather %get3A_135[%gather3A_303] in [0] : vector<16xf32>, vector<16xi32> -> vector<16xf32>
      %swap3A_305 = arith.index_cast %mul3A_292 : i32 to index
      %swap3A_306 = tpu.vector_load %arg11[%swap3A_305] {strides = array<i32>} : memref<8192xf32, #tpu.memory_space<vmem>>, vector<16xf32>,
      %swap3A_307 = vector.shape_cast %swap3A_306 : vector<16xf32> to vector<16xf32>
      %swap3A_308 = vector.shape_cast %gather3A_304 : vector<16xf32> to vector<16xf32>
      tpu.vector_store %arg11[%swap3A_305], %swap3A_308 {strides = array<i32>} : memref<8192xf32, #tpu.memory_space<vmem>>, vector<16xf32>,
      %mul3A_309 = arith.constant 16 : i32
      %mul3A_310 = arith.muli %scan3A_126, %mul3A_309 : i32
      %add3A_311 = arith.constant 8 : i32
      %add3A_312 = arith.addi %mul3A_310, %add3A_311 : i32
      %mul3A_313 = arith.constant 16 : i32
      %mul3A_314 = arith.muli %add3A_312, %mul3A_313 : i32
      %broadcast_in_dim3A_315 = arith.constant 8 : i32
      %broadcast_in_dim3A_316 = vector.broadcast %broadcast_in_dim3A_315 : i32 to vector<16x1xi32>
      %gather3A_317 = vector.shape_cast %broadcast_in_dim3A_316 : vector<16x1xi32> to vector<16xi32>
      %gather3A_318 = tpu.dynamic_gather %get3A_130[%gather3A_317] in [0] : vector<16xf32>, vector<16xi32> -> vector<16xf32>
      %swap3A_319 = arith.index_cast %mul3A_314 : i32 to index
      %swap3A_320 = tpu.vector_load %arg10[%swap3A_319] {strides = array<i32>} : memref<8192xf32, #tpu.memory_space<vmem>>, vector<16xf32>,
      %swap3A_321 = vector.shape_cast %swap3A_320 : vector<16xf32> to vector<16xf32>
      %swap3A_322 = vector.shape_cast %gather3A_318 : vector<16xf32> to vector<16xf32>
      tpu.vector_store %arg10[%swap3A_319], %swap3A_322 {strides = array<i32>} : memref<8192xf32, #tpu.memory_space<vmem>>, vector<16xf32>,
      %broadcast_in_dim3A_323 = arith.constant 8 : i32
      %broadcast_in_dim3A_324 = vector.broadcast %broadcast_in_dim3A_323 : i32 to vector<16x1xi32>
      %gather3A_325 = vector.shape_cast %broadcast_in_dim3A_324 : vector<16x1xi32> to vector<16xi32>
      %gather3A_326 = tpu.dynamic_gather %get3A_135[%gather3A_325] in [0] : vector<16xf32>, vector<16xi32> -> vector<16xf32>
      %swap3A_327 = arith.index_cast %mul3A_314 : i32 to index
      %swap3A_328 = tpu.vector_load %arg11[%swap3A_327] {strides = array<i32>} : memref<8192xf32, #tpu.memory_space<vmem>>, vector<16xf32>,
      %swap3A_329 = vector.shape_cast %swap3A_328 : vector<16xf32> to vector<16xf32>
      %swap3A_330 = vector.shape_cast %gather3A_326 : vector<16xf32> to vector<16xf32>
      tpu.vector_store %arg11[%swap3A_327], %swap3A_330 {strides = array<i32>} : memref<8192xf32, #tpu.memory_space<vmem>>, vector<16xf32>,
      %mul3A_331 = arith.constant 16 : i32
      %mul3A_332 = arith.muli %scan3A_126, %mul3A_331 : i32
      %add3A_333 = arith.constant 9 : i32
      %add3A_334 = arith.addi %mul3A_332, %add3A_333 : i32
      %mul3A_335 = arith.constant 16 : i32
      %mul3A_336 = arith.muli %add3A_334, %mul3A_335 : i32
      %broadcast_in_dim3A_337 = arith.constant 9 : i32
      %broadcast_in_dim3A_338 = vector.broadcast %broadcast_in_dim3A_337 : i32 to vector<16x1xi32>
      %gather3A_339 = vector.shape_cast %broadcast_in_dim3A_338 : vector<16x1xi32> to vector<16xi32>
      %gather3A_340 = tpu.dynamic_gather %get3A_130[%gather3A_339] in [0] : vector<16xf32>, vector<16xi32> -> vector<16xf32>
      %swap3A_341 = arith.index_cast %mul3A_336 : i32 to index
      %swap3A_342 = tpu.vector_load %arg10[%swap3A_341] {strides = array<i32>} : memref<8192xf32, #tpu.memory_space<vmem>>, vector<16xf32>,
      %swap3A_343 = vector.shape_cast %swap3A_342 : vector<16xf32> to vector<16xf32>
      %swap3A_344 = vector.shape_cast %gather3A_340 : vector<16xf32> to vector<16xf32>
      tpu.vector_store %arg10[%swap3A_341], %swap3A_344 {strides = array<i32>} : memref<8192xf32, #tpu.memory_space<vmem>>, vector<16xf32>,
      %broadcast_in_dim3A_345 = arith.constant 9 : i32
      %broadcast_in_dim3A_346 = vector.broadcast %broadcast_in_dim3A_345 : i32 to vector<16x1xi32>
      %gather3A_347 = vector.shape_cast %broadcast_in_dim3A_346 : vector<16x1xi32> to vector<16xi32>
      %gather3A_348 = tpu.dynamic_gather %get3A_135[%gather3A_347] in [0] : vector<16xf32>, vector<16xi32> -> vector<16xf32>
      %swap3A_349 = arith.index_cast %mul3A_336 : i32 to index
      %swap3A_350 = tpu.vector_load %arg11[%swap3A_349] {strides = array<i32>} : memref<8192xf32, #tpu.memory_space<vmem>>, vector<16xf32>,
      %swap3A_351 = vector.shape_cast %swap3A_350 : vector<16xf32> to vector<16xf32>
      %swap3A_352 = vector.shape_cast %gather3A_348 : vector<16xf32> to vector<16xf32>
      tpu.vector_store %arg11[%swap3A_349], %swap3A_352 {strides = array<i32>} : memref<8192xf32, #tpu.memory_space<vmem>>, vector<16xf32>,
      %mul3A_353 = arith.constant 16 : i32
      %mul3A_354 = arith.muli %scan3A_126, %mul3A_353 : i32
      %add3A_355 = arith.constant 10 : i32
      %add3A_356 = arith.addi %mul3A_354, %add3A_355 : i32
      %mul3A_357 = arith.constant 16 : i32
      %mul3A_358 = arith.muli %add3A_356, %mul3A_357 : i32
      %broadcast_in_dim3A_359 = arith.constant 10 : i32
      %broadcast_in_dim3A_360 = vector.broadcast %broadcast_in_dim3A_359 : i32 to vector<16x1xi32>
      %gather3A_361 = vector.shape_cast %broadcast_in_dim3A_360 : vector<16x1xi32> to vector<16xi32>
      %gather3A_362 = tpu.dynamic_gather %get3A_130[%gather3A_361] in [0] : vector<16xf32>, vector<16xi32> -> vector<16xf32>
      %swap3A_363 = arith.index_cast %mul3A_358 : i32 to index
      %swap3A_364 = tpu.vector_load %arg10[%swap3A_363] {strides = array<i32>} : memref<8192xf32, #tpu.memory_space<vmem>>, vector<16xf32>,
      %swap3A_365 = vector.shape_cast %swap3A_364 : vector<16xf32> to vector<16xf32>
      %swap3A_366 = vector.shape_cast %gather3A_362 : vector<16xf32> to vector<16xf32>
      tpu.vector_store %arg10[%swap3A_363], %swap3A_366 {strides = array<i32>} : memref<8192xf32, #tpu.memory_space<vmem>>, vector<16xf32>,
      %broadcast_in_dim3A_367 = arith.constant 10 : i32
      %broadcast_in_dim3A_368 = vector.broadcast %broadcast_in_dim3A_367 : i32 to vector<16x1xi32>
      %gather3A_369 = vector.shape_cast %broadcast_in_dim3A_368 : vector<16x1xi32> to vector<16xi32>
      %gather3A_370 = tpu.dynamic_gather %get3A_135[%gather3A_369] in [0] : vector<16xf32>, vector<16xi32> -> vector<16xf32>
      %swap3A_371 = arith.index_cast %mul3A_358 : i32 to index
      %swap3A_372 = tpu.vector_load %arg11[%swap3A_371] {strides = array<i32>} : memref<8192xf32, #tpu.memory_space<vmem>>, vector<16xf32>,
      %swap3A_373 = vector.shape_cast %swap3A_372 : vector<16xf32> to vector<16xf32>
      %swap3A_374 = vector.shape_cast %gather3A_370 : vector<16xf32> to vector<16xf32>
      tpu.vector_store %arg11[%swap3A_371], %swap3A_374 {strides = array<i32>} : memref<8192xf32, #tpu.memory_space<vmem>>, vector<16xf32>,
      %mul3A_375 = arith.constant 16 : i32
      %mul3A_376 = arith.muli %scan3A_126, %mul3A_375 : i32
      %add3A_377 = arith.constant 11 : i32
      %add3A_378 = arith.addi %mul3A_376, %add3A_377 : i32
      %mul3A_379 = arith.constant 16 : i32
      %mul3A_380 = arith.muli %add3A_378, %mul3A_379 : i32
      %broadcast_in_dim3A_381 = arith.constant 11 : i32
      %broadcast_in_dim3A_382 = vector.broadcast %broadcast_in_dim3A_381 : i32 to vector<16x1xi32>
      %gather3A_383 = vector.shape_cast %broadcast_in_dim3A_382 : vector<16x1xi32> to vector<16xi32>
      %gather3A_384 = tpu.dynamic_gather %get3A_130[%gather3A_383] in [0] : vector<16xf32>, vector<16xi32> -> vector<16xf32>
      %swap3A_385 = arith.index_cast %mul3A_380 : i32 to index
      %swap3A_386 = tpu.vector_load %arg10[%swap3A_385] {strides = array<i32>} : memref<8192xf32, #tpu.memory_space<vmem>>, vector<16xf32>,
      %swap3A_387 = vector.shape_cast %swap3A_386 : vector<16xf32> to vector<16xf32>
      %swap3A_388 = vector.shape_cast %gather3A_384 : vector<16xf32> to vector<16xf32>
      tpu.vector_store %arg10[%swap3A_385], %swap3A_388 {strides = array<i32>} : memref<8192xf32, #tpu.memory_space<vmem>>, vector<16xf32>,
      %broadcast_in_dim3A_389 = arith.constant 11 : i32
      %broadcast_in_dim3A_390 = vector.broadcast %broadcast_in_dim3A_389 : i32 to vector<16x1xi32>
      %gather3A_391 = vector.shape_cast %broadcast_in_dim3A_390 : vector<16x1xi32> to vector<16xi32>
      %gather3A_392 = tpu.dynamic_gather %get3A_135[%gather3A_391] in [0] : vector<16xf32>, vector<16xi32> -> vector<16xf32>
      %swap3A_393 = arith.index_cast %mul3A_380 : i32 to index
      %swap3A_394 = tpu.vector_load %arg11[%swap3A_393] {strides = array<i32>} : memref<8192xf32, #tpu.memory_space<vmem>>, vector<16xf32>,
      %swap3A_395 = vector.shape_cast %swap3A_394 : vector<16xf32> to vector<16xf32>
      %swap3A_396 = vector.shape_cast %gather3A_392 : vector<16xf32> to vector<16xf32>
      tpu.vector_store %arg11[%swap3A_393], %swap3A_396 {strides = array<i32>} : memref<8192xf32, #tpu.memory_space<vmem>>, vector<16xf32>,
      %mul3A_397 = arith.constant 16 : i32
      %mul3A_398 = arith.muli %scan3A_126, %mul3A_397 : i32
      %add3A_399 = arith.constant 12 : i32
      %add3A_400 = arith.addi %mul3A_398, %add3A_399 : i32
      %mul3A_401 = arith.constant 16 : i32
      %mul3A_402 = arith.muli %add3A_400, %mul3A_401 : i32
      %broadcast_in_dim3A_403 = arith.constant 12 : i32
      %broadcast_in_dim3A_404 = vector.broadcast %broadcast_in_dim3A_403 : i32 to vector<16x1xi32>
      %gather3A_405 = vector.shape_cast %broadcast_in_dim3A_404 : vector<16x1xi32> to vector<16xi32>
      %gather3A_406 = tpu.dynamic_gather %get3A_130[%gather3A_405] in [0] : vector<16xf32>, vector<16xi32> -> vector<16xf32>
      %swap3A_407 = arith.index_cast %mul3A_402 : i32 to index
      %swap3A_408 = tpu.vector_load %arg10[%swap3A_407] {strides = array<i32>} : memref<8192xf32, #tpu.memory_space<vmem>>, vector<16xf32>,
      %swap3A_409 = vector.shape_cast %swap3A_408 : vector<16xf32> to vector<16xf32>
      %swap3A_410 = vector.shape_cast %gather3A_406 : vector<16xf32> to vector<16xf32>
      tpu.vector_store %arg10[%swap3A_407], %swap3A_410 {strides = array<i32>} : memref<8192xf32, #tpu.memory_space<vmem>>, vector<16xf32>,
      %broadcast_in_dim3A_411 = arith.constant 12 : i32
      %broadcast_in_dim3A_412 = vector.broadcast %broadcast_in_dim3A_411 : i32 to vector<16x1xi32>
      %gather3A_413 = vector.shape_cast %broadcast_in_dim3A_412 : vector<16x1xi32> to vector<16xi32>
      %gather3A_414 = tpu.dynamic_gather %get3A_135[%gather3A_413] in [0] : vector<16xf32>, vector<16xi32> -> vector<16xf32>
      %swap3A_415 = arith.index_cast %mul3A_402 : i32 to index
      %swap3A_416 = tpu.vector_load %arg11[%swap3A_415] {strides = array<i32>} : memref<8192xf32, #tpu.memory_space<vmem>>, vector<16xf32>,
      %swap3A_417 = vector.shape_cast %swap3A_416 : vector<16xf32> to vector<16xf32>
      %swap3A_418 = vector.shape_cast %gather3A_414 : vector<16xf32> to vector<16xf32>
      tpu.vector_store %arg11[%swap3A_415], %swap3A_418 {strides = array<i32>} : memref<8192xf32, #tpu.memory_space<vmem>>, vector<16xf32>,
      %mul3A_419 = arith.constant 16 : i32
      %mul3A_420 = arith.muli %scan3A_126, %mul3A_419 : i32
      %add3A_421 = arith.constant 13 : i32
      %add3A_422 = arith.addi %mul3A_420, %add3A_421 : i32
      %mul3A_423 = arith.constant 16 : i32
      %mul3A_424 = arith.muli %add3A_422, %mul3A_423 : i32
      %broadcast_in_dim3A_425 = arith.constant 13 : i32
      %broadcast_in_dim3A_426 = vector.broadcast %broadcast_in_dim3A_425 : i32 to vector<16x1xi32>
      %gather3A_427 = vector.shape_cast %broadcast_in_dim3A_426 : vector<16x1xi32> to vector<16xi32>
      %gather3A_428 = tpu.dynamic_gather %get3A_130[%gather3A_427] in [0] : vector<16xf32>, vector<16xi32> -> vector<16xf32>
      %swap3A_429 = arith.index_cast %mul3A_424 : i32 to index
      %swap3A_430 = tpu.vector_load %arg10[%swap3A_429] {strides = array<i32>} : memref<8192xf32, #tpu.memory_space<vmem>>, vector<16xf32>,
      %swap3A_431 = vector.shape_cast %swap3A_430 : vector<16xf32> to vector<16xf32>
      %swap3A_432 = vector.shape_cast %gather3A_428 : vector<16xf32> to vector<16xf32>
      tpu.vector_store %arg10[%swap3A_429], %swap3A_432 {strides = array<i32>} : memref<8192xf32, #tpu.memory_space<vmem>>, vector<16xf32>,
      %broadcast_in_dim3A_433 = arith.constant 13 : i32
      %broadcast_in_dim3A_434 = vector.broadcast %broadcast_in_dim3A_433 : i32 to vector<16x1xi32>
      %gather3A_435 = vector.shape_cast %broadcast_in_dim3A_434 : vector<16x1xi32> to vector<16xi32>
      %gather3A_436 = tpu.dynamic_gather %get3A_135[%gather3A_435] in [0] : vector<16xf32>, vector<16xi32> -> vector<16xf32>
      %swap3A_437 = arith.index_cast %mul3A_424 : i32 to index
      %swap3A_438 = tpu.vector_load %arg11[%swap3A_437] {strides = array<i32>} : memref<8192xf32, #tpu.memory_space<vmem>>, vector<16xf32>,
      %swap3A_439 = vector.shape_cast %swap3A_438 : vector<16xf32> to vector<16xf32>
      %swap3A_440 = vector.shape_cast %gather3A_436 : vector<16xf32> to vector<16xf32>
      tpu.vector_store %arg11[%swap3A_437], %swap3A_440 {strides = array<i32>} : memref<8192xf32, #tpu.memory_space<vmem>>, vector<16xf32>,
      %mul3A_441 = arith.constant 16 : i32
      %mul3A_442 = arith.muli %scan3A_126, %mul3A_441 : i32
      %add3A_443 = arith.constant 14 : i32
      %add3A_444 = arith.addi %mul3A_442, %add3A_443 : i32
      %mul3A_445 = arith.constant 16 : i32
      %mul3A_446 = arith.muli %add3A_444, %mul3A_445 : i32
      %broadcast_in_dim3A_447 = arith.constant 14 : i32
      %broadcast_in_dim3A_448 = vector.broadcast %broadcast_in_dim3A_447 : i32 to vector<16x1xi32>
      %gather3A_449 = vector.shape_cast %broadcast_in_dim3A_448 : vector<16x1xi32> to vector<16xi32>
      %gather3A_450 = tpu.dynamic_gather %get3A_130[%gather3A_449] in [0] : vector<16xf32>, vector<16xi32> -> vector<16xf32>
      %swap3A_451 = arith.index_cast %mul3A_446 : i32 to index
      %swap3A_452 = tpu.vector_load %arg10[%swap3A_451] {strides = array<i32>} : memref<8192xf32, #tpu.memory_space<vmem>>, vector<16xf32>,
      %swap3A_453 = vector.shape_cast %swap3A_452 : vector<16xf32> to vector<16xf32>
      %swap3A_454 = vector.shape_cast %gather3A_450 : vector<16xf32> to vector<16xf32>
      tpu.vector_store %arg10[%swap3A_451], %swap3A_454 {strides = array<i32>} : memref<8192xf32, #tpu.memory_space<vmem>>, vector<16xf32>,
      %broadcast_in_dim3A_455 = arith.constant 14 : i32
      %broadcast_in_dim3A_456 = vector.broadcast %broadcast_in_dim3A_455 : i32 to vector<16x1xi32>
      %gather3A_457 = vector.shape_cast %broadcast_in_dim3A_456 : vector<16x1xi32> to vector<16xi32>
      %gather3A_458 = tpu.dynamic_gather %get3A_135[%gather3A_457] in [0] : vector<16xf32>, vector<16xi32> -> vector<16xf32>
      %swap3A_459 = arith.index_cast %mul3A_446 : i32 to index
      %swap3A_460 = tpu.vector_load %arg11[%swap3A_459] {strides = array<i32>} : memref<8192xf32, #tpu.memory_space<vmem>>, vector<16xf32>,
      %swap3A_461 = vector.shape_cast %swap3A_460 : vector<16xf32> to vector<16xf32>
      %swap3A_462 = vector.shape_cast %gather3A_458 : vector<16xf32> to vector<16xf32>
      tpu.vector_store %arg11[%swap3A_459], %swap3A_462 {strides = array<i32>} : memref<8192xf32, #tpu.memory_space<vmem>>, vector<16xf32>,
      %mul3A_463 = arith.constant 16 : i32
      %mul3A_464 = arith.muli %scan3A_126, %mul3A_463 : i32
      %add3A_465 = arith.constant 15 : i32
      %add3A_466 = arith.addi %mul3A_464, %add3A_465 : i32
      %mul3A_467 = arith.constant 16 : i32
      %mul3A_468 = arith.muli %add3A_466, %mul3A_467 : i32
      %broadcast_in_dim3A_469 = arith.constant 15 : i32
      %broadcast_in_dim3A_470 = vector.broadcast %broadcast_in_dim3A_469 : i32 to vector<16x1xi32>
      %gather3A_471 = vector.shape_cast %broadcast_in_dim3A_470 : vector<16x1xi32> to vector<16xi32>
      %gather3A_472 = tpu.dynamic_gather %get3A_130[%gather3A_471] in [0] : vector<16xf32>, vector<16xi32> -> vector<16xf32>
      %swap3A_473 = arith.index_cast %mul3A_468 : i32 to index
      %swap3A_474 = tpu.vector_load %arg10[%swap3A_473] {strides = array<i32>} : memref<8192xf32, #tpu.memory_space<vmem>>, vector<16xf32>,
      %swap3A_475 = vector.shape_cast %swap3A_474 : vector<16xf32> to vector<16xf32>
      %swap3A_476 = vector.shape_cast %gather3A_472 : vector<16xf32> to vector<16xf32>
      tpu.vector_store %arg10[%swap3A_473], %swap3A_476 {strides = array<i32>} : memref<8192xf32, #tpu.memory_space<vmem>>, vector<16xf32>,
      %broadcast_in_dim3A_477 = arith.constant 15 : i32
      %broadcast_in_dim3A_478 = vector.broadcast %broadcast_in_dim3A_477 : i32 to vector<16x1xi32>
      %gather3A_479 = vector.shape_cast %broadcast_in_dim3A_478 : vector<16x1xi32> to vector<16xi32>
      %gather3A_480 = tpu.dynamic_gather %get3A_135[%gather3A_479] in [0] : vector<16xf32>, vector<16xi32> -> vector<16xf32>
      %swap3A_481 = arith.index_cast %mul3A_468 : i32 to index
      %swap3A_482 = tpu.vector_load %arg11[%swap3A_481] {strides = array<i32>} : memref<8192xf32, #tpu.memory_space<vmem>>, vector<16xf32>,
      %swap3A_483 = vector.shape_cast %swap3A_482 : vector<16xf32> to vector<16xf32>
      %swap3A_484 = vector.shape_cast %gather3A_480 : vector<16xf32> to vector<16xf32>
      tpu.vector_store %arg11[%swap3A_481], %swap3A_484 {strides = array<i32>} : memref<8192xf32, #tpu.memory_space<vmem>>, vector<16xf32>,
    }
    %scan3A_101 = arith.constant 32 : i32
    %mul3A_102 = arith.constant 16 : i32
    %mul3A_103 = arith.muli %mul3A_2, %mul3A_102 : i32
    %dma_start3A_104 = arith.constant 0 : i32
    %dma_start3A_105 = tpu.memref_slice %arg5[%dma_start3A_104, %mul3A_103] : memref<1x262144xf32, #tpu.memory_space<hbm>> -> memref<1x8192xf32, #tpu.memory_space<hbm>>
    %dma_start3A_106 = tpu.memref_squeeze %dma_start3A_105 : memref<1x8192xf32, #tpu.memory_space<hbm>> -> memref<8192xf32, #tpu.memory_space<hbm>>
    %dma_start3A_107 = tpu.memref_slice %arg5[%dma_start3A_104, %mul3A_103] : memref<1x262144xf32, #tpu.memory_space<hbm>> -> memref<1x8192xf32, #tpu.memory_space<hbm>>
    %dma_start3A_108 = tpu.memref_squeeze %dma_start3A_107 : memref<1x8192xf32, #tpu.memory_space<hbm>> -> memref<8192xf32, #tpu.memory_space<hbm>>
    tpu.enqueue_dma source(%arg10 : memref<8192xf32, #tpu.memory_space<vmem>>) target(%dma_start3A_108 : memref<8192xf32, #tpu.memory_space<hbm>>) target_semaphore(%arg13 : memref<!tpu.dma_semaphore, #tpu.memory_space<semaphore_mem>>)
    %mul3A_109 = arith.constant 16 : i32
    %mul3A_110 = arith.muli %mul3A_2, %mul3A_109 : i32
    %dma_start3A_111 = arith.constant 0 : i32
    %dma_start3A_112 = tpu.memref_slice %arg6[%dma_start3A_111, %mul3A_110] : memref<1x262144xf32, #tpu.memory_space<hbm>> -> memref<1x8192xf32, #tpu.memory_space<hbm>>
    %dma_start3A_113 = tpu.memref_squeeze %dma_start3A_112 : memref<1x8192xf32, #tpu.memory_space<hbm>> -> memref<8192xf32, #tpu.memory_space<hbm>>
    %dma_start3A_114 = tpu.memref_slice %arg6[%dma_start3A_111, %mul3A_110] : memref<1x262144xf32, #tpu.memory_space<hbm>> -> memref<1x8192xf32, #tpu.memory_space<hbm>>
    %dma_start3A_115 = tpu.memref_squeeze %dma_start3A_114 : memref<1x8192xf32, #tpu.memory_space<hbm>> -> memref<8192xf32, #tpu.memory_space<hbm>>
    tpu.enqueue_dma source(%arg11 : memref<8192xf32, #tpu.memory_space<vmem>>) target(%dma_start3A_115 : memref<8192xf32, #tpu.memory_space<hbm>>) target_semaphore(%arg13 : memref<!tpu.dma_semaphore, #tpu.memory_space<semaphore_mem>>)
    %dma_wait3A_116 = arith.constant 0 : i32
    %dma_wait3A_117 = tpu.memref_slice %arg5[%dma_wait3A_116, %mul3A_103] : memref<1x262144xf32, #tpu.memory_space<hbm>> -> memref<1x8192xf32, #tpu.memory_space<hbm>>
    %dma_wait3A_118 = tpu.memref_squeeze %dma_wait3A_117 : memref<1x8192xf32, #tpu.memory_space<hbm>> -> memref<8192xf32, #tpu.memory_space<hbm>>
    %dma_wait3A_119 = tpu.memref_slice %arg5[%dma_wait3A_116, %mul3A_103] : memref<1x262144xf32, #tpu.memory_space<hbm>> -> memref<1x8192xf32, #tpu.memory_space<hbm>>
    %dma_wait3A_120 = tpu.memref_squeeze %dma_wait3A_119 : memref<1x8192xf32, #tpu.memory_space<hbm>> -> memref<8192xf32, #tpu.memory_space<hbm>>
    tpu.wait_dma2 semaphore(%arg13 : memref<!tpu.dma_semaphore, #tpu.memory_space<semaphore_mem>>) src(%arg10 : memref<8192xf32, #tpu.memory_space<vmem>>) dst(%dma_wait3A_120 : memref<8192xf32, #tpu.memory_space<hbm>>)
    %dma_wait3A_121 = arith.constant 0 : i32
    %dma_wait3A_122 = tpu.memref_slice %arg6[%dma_wait3A_121, %mul3A_110] : memref<1x262144xf32, #tpu.memory_space<hbm>> -> memref<1x8192xf32, #tpu.memory_space<hbm>>
    %dma_wait3A_123 = tpu.memref_squeeze %dma_wait3A_122 : memref<1x8192xf32, #tpu.memory_space<hbm>> -> memref<8192xf32, #tpu.memory_space<hbm>>
    %dma_wait3A_124 = tpu.memref_slice %arg6[%dma_wait3A_121, %mul3A_110] : memref<1x262144xf32, #tpu.memory_space<hbm>> -> memref<1x8192xf32, #tpu.memory_space<hbm>>
    %dma_wait3A_125 = tpu.memref_squeeze %dma_wait3A_124 : memref<1x8192xf32, #tpu.memory_space<hbm>> -> memref<8192xf32, #tpu.memory_space<hbm>>
    tpu.wait_dma2 semaphore(%arg13 : memref<!tpu.dma_semaphore, #tpu.memory_space<semaphore_mem>>) src(%arg11 : memref<8192xf32, #tpu.memory_space<vmem>>) dst(%dma_wait3A_125 : memref<8192xf32, #tpu.memory_space<hbm>>)
    return
  }
}

module attributes {stable_mosaic.version = 14 : i64} {
  func.func @_tc_xy(%arg0: i32, %arg1: memref<1x65536xf32, #tpu.memory_space<vmem>>, %arg2: memref<1x65536xf32, #tpu.memory_space<vmem>>, %arg3: memref<1x1xf32, #tpu.memory_space<smem>>, %arg4: memref<1x1xi32, #tpu.memory_space<smem>>, %arg5: memref<3x8x262144xf32, #tpu.memory_space<any>>, %arg6: memref<3x8x262144xi32, #tpu.memory_space<any>>, %arg7: memref<2x8x65536xf32, #tpu.memory_space<vmem>>, %arg8: memref<2x8x65536xi32, #tpu.memory_space<vmem>>) attributes {dimension_semantics = [#tpu.dimension_semantics<arbitrary>], iteration_bounds = array<i64: 4>, scalar_prefetch = 0 : i64, scratch_operands = 0 : i64, tpu.core_type = #tpu.core_type<tc>, window_params = [{transform_indices = @transform_0, window_bounds = array<i64: 1, 65536>}, {transform_indices = @transform_1, window_bounds = array<i64: 1, 65536>}, {transform_indices = @transform_2, window_bounds = array<i64: 1, 1>}, {transform_indices = @transform_3, window_bounds = array<i64: 1, 1>}, {}, {}, {transform_indices = @transform_6, window_bounds = array<i64: 2, 8, 65536>}, {transform_indices = @transform_7, window_bounds = array<i64: 2, 8, 65536>}]} {
    %get3A = arith.constant 0 : index
    %get3A_0 = arith.constant 0 : index
    %get3A_1 = memref.load %arg3[%get3A, %get3A_0] : memref<1x1xf32, #tpu.memory_space<smem>>
    %get3A_2 = arith.constant 0 : index
    %get3A_3 = arith.constant 0 : index
    %get3A_4 = memref.load %arg4[%get3A_2, %get3A_3] : memref<1x1xi32, #tpu.memory_space<smem>>
    %get3A_5 = arith.constant 0 : index
    %get3A_6 = arith.constant 0 : index
    %get3A_7 = vector.load %arg1[%get3A_5, %get3A_6] : memref<1x65536xf32, #tpu.memory_space<vmem>>, vector<1x65536xf32>
    %get3A_8 = arith.constant 0 : index
    %get3A_9 = arith.constant 0 : index
    %get3A_10 = vector.load %arg2[%get3A_8, %get3A_9] : memref<1x65536xf32, #tpu.memory_space<vmem>>, vector<1x65536xf32>
    %mul3A = arith.constant 1.024000e+02 : f32
    %mul3A_11 = vector.broadcast %mul3A : f32 to vector<1x65536xf32>
    %mul3A_12 = arith.mulf %get3A_7, %mul3A_11 : vector<1x65536xf32>
    %sub3A = arith.constant 5.120000e+01 : f32
    %sub3A_13 = vector.broadcast %sub3A : f32 to vector<1x65536xf32>
    %sub3A_14 = arith.subf %mul3A_12, %sub3A_13 : vector<1x65536xf32>
    %add3A = vector.broadcast %get3A_1 : f32 to vector<1x65536xf32>
    %add3A_15 = arith.addf %sub3A_14, %add3A : vector<1x65536xf32>
    %mul3A_16 = arith.constant 1.024000e+02 : f32
    %mul3A_17 = vector.broadcast %mul3A_16 : f32 to vector<1x65536xf32>
    %mul3A_18 = arith.mulf %get3A_10, %mul3A_17 : vector<1x65536xf32>
    %sub3A_19 = arith.constant 5.120000e+01 : f32
    %sub3A_20 = vector.broadcast %sub3A_19 : f32 to vector<1x65536xf32>
    %sub3A_21 = arith.subf %mul3A_18, %sub3A_20 : vector<1x65536xf32>
    %add3A_22 = vector.broadcast %get3A_1 : f32 to vector<1x65536xf32>
    %add3A_23 = arith.addf %sub3A_21, %add3A_22 : vector<1x65536xf32>
    %mul3A_24 = arith.constant 2.550000e+02 : f32
    %mul3A_25 = vector.broadcast %mul3A_24 : f32 to vector<1x65536xf32>
    %mul3A_26 = arith.mulf %get3A_7, %mul3A_25 : vector<1x65536xf32>
    %add3A_27 = arith.constant 5.000000e-01 : f32
    %add3A_28 = vector.broadcast %add3A_27 : f32 to vector<1x65536xf32>
    %add3A_29 = arith.addf %mul3A_26, %add3A_28 : vector<1x65536xf32>
    %convert_element_type3A = arith.fptosi %add3A_29 : vector<1x65536xf32> to vector<1x65536xi32>
    %add3A_30 = vector.broadcast %get3A_4 : i32 to vector<1x65536xi32>
    %add3A_31 = arith.addi %convert_element_type3A, %add3A_30 : vector<1x65536xi32>
    %mul3A_32 = arith.constant 2.550000e+02 : f32
    %mul3A_33 = vector.broadcast %mul3A_32 : f32 to vector<1x65536xf32>
    %mul3A_34 = arith.mulf %get3A_10, %mul3A_33 : vector<1x65536xf32>
    %add3A_35 = arith.constant 5.000000e-01 : f32
    %add3A_36 = vector.broadcast %add3A_35 : f32 to vector<1x65536xf32>
    %add3A_37 = arith.addf %mul3A_34, %add3A_36 : vector<1x65536xf32>
    %convert_element_type3A_38 = arith.fptosi %add3A_37 : vector<1x65536xf32> to vector<1x65536xi32>
    %add3A_39 = vector.broadcast %get3A_4 : i32 to vector<1x65536xi32>
    %add3A_40 = arith.addi %convert_element_type3A_38, %add3A_39 : vector<1x65536xi32>
    %broadcast_in_dim3A = vector.shape_cast %add3A_15 : vector<1x65536xf32> to vector<1x65536xf32>
    %broadcast_in_dim3A_41 = vector.broadcast %broadcast_in_dim3A : vector<1x65536xf32> to vector<8x65536xf32>
    %swap3A = arith.constant 0 : index
    %swap3A_42 = arith.constant 0 : index
    %swap3A_43 = arith.constant 0 : index
    %swap3A_44 = vector.load %arg7[%swap3A, %swap3A_42, %swap3A_43] : memref<2x8x65536xf32, #tpu.memory_space<vmem>>, vector<1x8x65536xf32>
    %swap3A_45 = vector.shape_cast %swap3A_44 : vector<1x8x65536xf32> to vector<8x65536xf32>
    %swap3A_46 = vector.shape_cast %broadcast_in_dim3A_41 : vector<8x65536xf32> to vector<1x8x65536xf32>
    tpu.vector_store %arg7[%swap3A, %swap3A_42, %swap3A_43], %swap3A_46 {strides = array<i32>} : memref<2x8x65536xf32, #tpu.memory_space<vmem>>, vector<1x8x65536xf32>,
    %broadcast_in_dim3A_47 = vector.shape_cast %add3A_23 : vector<1x65536xf32> to vector<1x65536xf32>
    %broadcast_in_dim3A_48 = vector.broadcast %broadcast_in_dim3A_47 : vector<1x65536xf32> to vector<8x65536xf32>
    %swap3A_49 = arith.constant 1 : index
    %swap3A_50 = arith.constant 0 : index
    %swap3A_51 = arith.constant 0 : index
    %swap3A_52 = vector.load %arg7[%swap3A_49, %swap3A_50, %swap3A_51] : memref<2x8x65536xf32, #tpu.memory_space<vmem>>, vector<1x8x65536xf32>
    %swap3A_53 = vector.shape_cast %swap3A_52 : vector<1x8x65536xf32> to vector<8x65536xf32>
    %swap3A_54 = vector.shape_cast %broadcast_in_dim3A_48 : vector<8x65536xf32> to vector<1x8x65536xf32>
    tpu.vector_store %arg7[%swap3A_49, %swap3A_50, %swap3A_51], %swap3A_54 {strides = array<i32>} : memref<2x8x65536xf32, #tpu.memory_space<vmem>>, vector<1x8x65536xf32>,
    %broadcast_in_dim3A_55 = vector.shape_cast %add3A_31 : vector<1x65536xi32> to vector<1x65536xi32>
    %broadcast_in_dim3A_56 = vector.broadcast %broadcast_in_dim3A_55 : vector<1x65536xi32> to vector<8x65536xi32>
    %swap3A_57 = arith.constant 0 : index
    %swap3A_58 = arith.constant 0 : index
    %swap3A_59 = arith.constant 0 : index
    %swap3A_60 = vector.load %arg8[%swap3A_57, %swap3A_58, %swap3A_59] : memref<2x8x65536xi32, #tpu.memory_space<vmem>>, vector<1x8x65536xi32>
    %swap3A_61 = vector.shape_cast %swap3A_60 : vector<1x8x65536xi32> to vector<8x65536xi32>
    %swap3A_62 = vector.shape_cast %broadcast_in_dim3A_56 : vector<8x65536xi32> to vector<1x8x65536xi32>
    tpu.vector_store %arg8[%swap3A_57, %swap3A_58, %swap3A_59], %swap3A_62 {strides = array<i32>} : memref<2x8x65536xi32, #tpu.memory_space<vmem>>, vector<1x8x65536xi32>,
    %broadcast_in_dim3A_63 = vector.shape_cast %add3A_40 : vector<1x65536xi32> to vector<1x65536xi32>
    %broadcast_in_dim3A_64 = vector.broadcast %broadcast_in_dim3A_63 : vector<1x65536xi32> to vector<8x65536xi32>
    %swap3A_65 = arith.constant 1 : index
    %swap3A_66 = arith.constant 0 : index
    %swap3A_67 = arith.constant 0 : index
    %swap3A_68 = vector.load %arg8[%swap3A_65, %swap3A_66, %swap3A_67] : memref<2x8x65536xi32, #tpu.memory_space<vmem>>, vector<1x8x65536xi32>
    %swap3A_69 = vector.shape_cast %swap3A_68 : vector<1x8x65536xi32> to vector<8x65536xi32>
    %swap3A_70 = vector.shape_cast %broadcast_in_dim3A_64 : vector<8x65536xi32> to vector<1x8x65536xi32>
    tpu.vector_store %arg8[%swap3A_65, %swap3A_66, %swap3A_67], %swap3A_70 {strides = array<i32>} : memref<2x8x65536xi32, #tpu.memory_space<vmem>>, vector<1x8x65536xi32>,
    return
  }
  func.func @transform_0(%arg0: i32) -> (i32, i32) {
    %c0_i32 = arith.constant 0 : i32
    %c0_i32_0 = arith.constant 0 : i32
    return %c0_i32, %arg0 : i32, i32
  }
  func.func @transform_1(%arg0: i32) -> (i32, i32) {
    %c0_i32 = arith.constant 0 : i32
    %c0_i32_0 = arith.constant 0 : i32
    return %c0_i32, %arg0 : i32, i32
  }
  func.func @transform_2(%arg0: i32) -> (i32, i32) {
    %c0_i32 = arith.constant 0 : i32
    %c0_i32_0 = arith.constant 0 : i32
    %c0_i32_1 = arith.constant 0 : i32
    return %c0_i32, %c0_i32_0 : i32, i32
  }
  func.func @transform_3(%arg0: i32) -> (i32, i32) {
    %c0_i32 = arith.constant 0 : i32
    %c0_i32_0 = arith.constant 0 : i32
    %c0_i32_1 = arith.constant 0 : i32
    return %c0_i32, %c0_i32_0 : i32, i32
  }
  func.func @transform_6(%arg0: i32) -> (i32, i32, i32) {
    %c0_i32 = arith.constant 0 : i32
    %c0_i32_0 = arith.constant 0 : i32
    %c0_i32_1 = arith.constant 0 : i32
    return %c0_i32, %c0_i32_0, %arg0 : i32, i32, i32
  }
  func.func @transform_7(%arg0: i32) -> (i32, i32, i32) {
    %c0_i32 = arith.constant 0 : i32
    %c0_i32_0 = arith.constant 0 : i32
    %c0_i32_1 = arith.constant 0 : i32
    return %c0_i32, %c0_i32_0, %arg0 : i32, i32, i32
  }
}

module attributes {stable_mosaic.version = 14 : i64} {
  func.func @_tc_heights(%arg0: i32, %arg1: memref<1x1xf32, #tpu.memory_space<smem>>, %arg2: memref<1x1xi32, #tpu.memory_space<smem>>, %arg3: memref<1x8x65536xf32, #tpu.memory_space<vmem>>, %arg4: memref<1x8x65536xi32, #tpu.memory_space<vmem>>) attributes {dimension_semantics = [#tpu.dimension_semantics<arbitrary>], iteration_bounds = array<i64: 4>, scalar_prefetch = 0 : i64, scratch_operands = 0 : i64, tpu.core_type = #tpu.core_type<tc>, window_params = [{transform_indices = @transform_0, window_bounds = array<i64: 1, 1>}, {transform_indices = @transform_1, window_bounds = array<i64: 1, 1>}, {transform_indices = @transform_2, window_bounds = array<i64: 1, 8, 65536>}, {transform_indices = @transform_3, window_bounds = array<i64: 1, 8, 65536>}]} {
    %get3A = arith.constant 0 : index
    %get3A_0 = arith.constant 0 : index
    %get3A_1 = memref.load %arg1[%get3A, %get3A_0] : memref<1x1xf32, #tpu.memory_space<smem>>
    %get3A_2 = arith.constant 0 : index
    %get3A_3 = arith.constant 0 : index
    %get3A_4 = memref.load %arg2[%get3A_2, %get3A_3] : memref<1x1xi32, #tpu.memory_space<smem>>
    %iota3A = tpu.iota {dimensions = array<i32: 1>} : vector<1x65536xi32>
    %and3A = arith.constant 15 : i32
    %and3A_5 = vector.broadcast %and3A : i32 to vector<1x65536xi32>
    %and3A_6 = arith.andi %iota3A, %and3A_5 : vector<1x65536xi32>
    %convert_element_type3A = arith.sitofp %and3A_6 : vector<1x65536xi32> to vector<1x65536xf32>
    %mul3A = arith.constant 0.0666666701 : f32
    %mul3A_7 = vector.broadcast %mul3A : f32 to vector<1x65536xf32>
    %mul3A_8 = arith.mulf %convert_element_type3A, %mul3A_7 : vector<1x65536xf32>
    %mul3A_9 = arith.constant 8.000000e+00 : f32
    %mul3A_10 = vector.broadcast %mul3A_9 : f32 to vector<1x65536xf32>
    %mul3A_11 = arith.mulf %mul3A_8, %mul3A_10 : vector<1x65536xf32>
    %sub3A = arith.constant 5.000000e+00 : f32
    %sub3A_12 = vector.broadcast %sub3A : f32 to vector<1x65536xf32>
    %sub3A_13 = arith.subf %mul3A_11, %sub3A_12 : vector<1x65536xf32>
    %add3A = vector.broadcast %get3A_1 : f32 to vector<1x65536xf32>
    %add3A_14 = arith.addf %sub3A_13, %add3A : vector<1x65536xf32>
    %add3A_15 = vector.broadcast %get3A_4 : i32 to vector<1x65536xi32>
    %add3A_16 = arith.addi %and3A_6, %add3A_15 : vector<1x65536xi32>
    %broadcast_in_dim3A = vector.shape_cast %add3A_14 : vector<1x65536xf32> to vector<1x65536xf32>
    %broadcast_in_dim3A_17 = vector.broadcast %broadcast_in_dim3A : vector<1x65536xf32> to vector<8x65536xf32>
    %swap3A = arith.constant 0 : index
    %swap3A_18 = arith.constant 0 : index
    %swap3A_19 = arith.constant 0 : index
    %swap3A_20 = vector.load %arg3[%swap3A, %swap3A_18, %swap3A_19] : memref<1x8x65536xf32, #tpu.memory_space<vmem>>, vector<1x8x65536xf32>
    %swap3A_21 = vector.shape_cast %swap3A_20 : vector<1x8x65536xf32> to vector<8x65536xf32>
    %swap3A_22 = vector.shape_cast %broadcast_in_dim3A_17 : vector<8x65536xf32> to vector<1x8x65536xf32>
    tpu.vector_store %arg3[%swap3A, %swap3A_18, %swap3A_19], %swap3A_22 {strides = array<i32>} : memref<1x8x65536xf32, #tpu.memory_space<vmem>>, vector<1x8x65536xf32>,
    %broadcast_in_dim3A_23 = vector.shape_cast %add3A_16 : vector<1x65536xi32> to vector<1x65536xi32>
    %broadcast_in_dim3A_24 = vector.broadcast %broadcast_in_dim3A_23 : vector<1x65536xi32> to vector<8x65536xi32>
    %swap3A_25 = arith.constant 0 : index
    %swap3A_26 = arith.constant 0 : index
    %swap3A_27 = arith.constant 0 : index
    %swap3A_28 = vector.load %arg4[%swap3A_25, %swap3A_26, %swap3A_27] : memref<1x8x65536xi32, #tpu.memory_space<vmem>>, vector<1x8x65536xi32>
    %swap3A_29 = vector.shape_cast %swap3A_28 : vector<1x8x65536xi32> to vector<8x65536xi32>
    %swap3A_30 = vector.shape_cast %broadcast_in_dim3A_24 : vector<8x65536xi32> to vector<1x8x65536xi32>
    tpu.vector_store %arg4[%swap3A_25, %swap3A_26, %swap3A_27], %swap3A_30 {strides = array<i32>} : memref<1x8x65536xi32, #tpu.memory_space<vmem>>, vector<1x8x65536xi32>,
    return
  }
  func.func @transform_0(%arg0: i32) -> (i32, i32) {
    %c0_i32 = arith.constant 0 : i32
    %c0_i32_0 = arith.constant 0 : i32
    %c0_i32_1 = arith.constant 0 : i32
    return %c0_i32, %c0_i32_0 : i32, i32
  }
  func.func @transform_1(%arg0: i32) -> (i32, i32) {
    %c0_i32 = arith.constant 0 : i32
    %c0_i32_0 = arith.constant 0 : i32
    %c0_i32_1 = arith.constant 0 : i32
    return %c0_i32, %c0_i32_0 : i32, i32
  }
  func.func @transform_2(%arg0: i32) -> (i32, i32, i32) {
    %c2_i32 = arith.constant 2 : i32
    %c0_i32 = arith.constant 0 : i32
    %c0_i32_0 = arith.constant 0 : i32
    return %c2_i32, %c0_i32, %arg0 : i32, i32, i32
  }
  func.func @transform_3(%arg0: i32) -> (i32, i32, i32) {
    %c2_i32 = arith.constant 2 : i32
    %c0_i32 = arith.constant 0 : i32
    %c0_i32_0 = arith.constant 0 : i32
    return %c2_i32, %c0_i32, %arg0 : i32, i32, i32
  }
}

</mosaic_0001>

<sc_bundles>
// kernel: kernel.5.cloned.1.call-start
scs
__scs_entry_jumppad:
0x0: {  	(pc) =	sbr.rel $0x88, $3  }
0x1: {  	(tag) =	ssettag $0x0;
	lr =	simm.s32 $0x1  }
0x2: {  	[smem:$0x3F9E] =	sst lr;
	_ =	strace $0xD0000000  }
0x3: {  	_ = 	snop  }
0x4: {  	_ = 	snop  }
0x5: {  	_ = 	snop  }
0x6: {  	_ = 	snop  }
0x7: {  	_ = 	snop  }
__scs_overlays_trampoline_lowered:
0x8: {  	[smem:$0x3FAD] =	sst s0  }
0x9: {  	[smem:$0x3FAE] =	sst s1  }
0xa: {  	[smem:$0x3FAF] =	sst s2  }
0xb: {  	[smem:$0x3FB0] =	sst s3  }
0xc: {  	[smem:$0x3FB1] =	sst s4  }
0xd: {  	[smem:$0x3FB2] =	sst s5  }
0xe: {  	[smem:$0x3FB3] =	sst s6  }
0xf: {  	[smem:$0x3FB4] =	sst s7  }
0x10: {  	[smem:$0x3FB5] =	sst s8  }
0x11: {  	[smem:$0x3FB6] =	sst s9;
	s0 =	simm.s32 @!p0 $0x0  }
0x12: {  	s1 =	sld [smem:$0x3F9C];
	s0 =	simm.s32 @p0 $0x1  }
0x13: {  	[smem:$0x3FB7] =	sst s0;
	s0 =	simm.s32 @!p1 $0x0  }
0x14: {  	s2 =	sld [smem:$0x3F9B];
	s0 =	simm.s32 @p1 $0x1  }
0x15: {  	[smem:$0x3FB8] =	sst s0;
	s0 =	simm.s32 @!p2 $0x0  }
0x16: {  	s3 =	sld [smem:$0x3FDB];
	s0 =	simm.s32 @p2 $0x1  }
0x17: {  	s4 =	simm.s32 $0x1BF5;
	[smem:$0x3FBA] =	sst s0  }
0x18: {  	s0 =	sld [smem:$0x3F9D];
	_ =	swait.ge [sflag:s4], $0x0  }
0x19: {  	s7 =	sld [smem:$0x3F9E]  }
0x1a: {  	s8 =	sadd.s32 $0xFFFFE003, lr  }
0x1b: {  	s9 =	sadd.s32 $0xFFFFFEF7, lr;
	s5 =	simm.s32 $0xFFFFFFFF;
	p2 =	slt.u32 s8, $0xFFFFF086  }
0x1c: {  	p1 =	slt.u32 s9, $0xF7A;
	s5 =	simm.s32 @!p2 $0x0  }
0x1d: {  	s5 =	simm.s32 @p1 $0x1;
	p0 =	seq.s32 s7, s2  }
0x1e: {  	s7 =	smul.u32 @!p0 $0xF7A, s2;
	p2 =	seq.s32 @!p0 s5, $0x0  }
0x1f: {  	s9 =	smul.u32 $0xF7A, s1;
	s8 =	simm.s32 @!p0 $0x1BF5;
	p2 =	por !p2, p0  }
0x20: {  	[sflag:s8] =	ssyncset.s32 @!p0 $0xFFFFF086;
	s6 =	sadd.s32 @!p0 s3, s7;
	s7 =	simm.s32 @!p0 $0x108  }
0x21: {  	s3 =	sadd.s32 s3, s9;
	s6 =	sadd.s32 @!p0 $0x88, s6;
	s7 =	simm.s32 @p2 $0x1082  }
0x22: {  	[simem:s7], [sflag:s8] =	dma.local @!p0 [hbm:s6], $0xF7A  }
0x23: {  	s9 =	sor.u32 $0xD0000000, s2;
	s6 =	simm.s32 $0x108;
	_ =	swait.ge @!p0 [sflag:s8], $0x0  }
0x24: {  	s3 =	sadd.s32 $0x88, s3;
	s6 =	simm.s32 @!p1 $0x1082;
	[sflag:s4] =	ssyncset.s32 $0xFFFFF086  }
0x25: {  	[simem:s6], [sflag:s4] =	dma.local [hbm:s3], $0xF7A  }
0x26: {  	[smem:$0x3F9E] =	sst s1;
	(tag) =	ssettag s2;
	_ =	strace s9  }
0x27: {  	s1 =	sld [smem:$0x3FAE]  }
0x28: {  	s2 =	sld [smem:$0x3FAF]  }
0x29: {  	s4 =	sld [smem:$0x3FB1]  }
0x2a: {  	p0 =	seq.s32 s5, $0x0;
	s5 =	sld [smem:$0x3FB2]  }
0x2b: {  	s6 =	sld [smem:$0x3FB3]  }
0x2c: {  	s7 =	sld [smem:$0x3FB4]  }
0x2d: {  	s3 =	simm.s32 $0x108;
	s8 =	sld [smem:$0x3FB5]  }
0x2e: {  	s3 =	simm.s32 @!p0 $0x1082;
	s9 =	sld [smem:$0x3FB6]  }
0x2f: {  	lr =	sadd.s32 s0, s3;
	s0 =	sld [smem:$0x3FAD]  }
0x30: {  	s3 =	sld [smem:$0x3FB0]  }
0x31: {  	[smem:$0x3FB9] =	sst s10  }
0x32: {  	s10 =	sld [smem:$0x3FB7];
	_ =	sdelay $0x3  }
0x33: {  	p0 =	seq.s32 s10, $0x1;
	s10 =	sld [smem:$0x3FB9];
	_ =	sdelay $0x3  }
0x34: {  	[smem:$0x3FB9] =	sst s10  }
0x35: {  	s10 =	sld [smem:$0x3FB8];
	_ =	sdelay $0x3  }
0x36: {  	p1 =	seq.s32 s10, $0x1;
	s10 =	sld [smem:$0x3FB9];
	_ =	sdelay $0x3  }
0x37: {  	[smem:$0x3FB9] =	sst s10  }
0x38: {  	s10 =	sld [smem:$0x3FBA]  }
0x39: {  	_ = 	snop;
	(pc) =	sbr.ind lr, $3  }
0x3a: {  	_ = 	snop  }
0x3b: {  	_ = 	snop  }
0x3c: {  	p2 =	seq.s32 s10, $0x1;
	s10 =	sld [smem:$0x3FB9]  }
0x3d: {  	_ =	shalt  }
0x3e: {  	_ =	shalt  }
0x3f: {  	_ =	shalt  }
0x40: {  	_ =	shalt  }
0x41: {  	_ =	shalt  }
0x42: {  	_ =	shalt  }
0x43: {  	_ =	shalt  }
0x44: {  	_ =	shalt  }
0x45: {  	_ =	shalt  }
0x46: {  	_ =	shalt  }
0x47: {  	_ =	shalt  }
0x48: {  	_ =	shalt  }
0x49: {  	_ =	shalt  }
0x4a: {  	_ =	shalt  }
0x4b: {  	_ =	shalt  }
0x4c: {  	_ =	shalt  }
0x4d: {  	_ =	shalt  }
0x4e: {  	_ =	shalt  }
0x4f: {  	_ =	shalt  }
0x50: {  	_ =	shalt  }
0x51: {  	_ =	shalt  }
0x52: {  	_ =	shalt  }
0x53: {  	_ =	shalt  }
0x54: {  	_ =	shalt  }
0x55: {  	_ =	shalt  }
0x56: {  	_ =	shalt  }
0x57: {  	_ =	shalt  }
0x58: {  	_ =	shalt  }
0x59: {  	_ =	shalt  }
0x5a: {  	_ =	shalt  }
0x5b: {  	_ =	shalt  }
0x5c: {  	_ =	shalt  }
0x5d: {  	_ =	shalt  }
0x5e: {  	_ =	shalt  }
0x5f: {  	_ =	shalt  }
0x60: {  	_ =	shalt  }
0x61: {  	_ =	shalt  }
0x62: {  	_ =	shalt  }
0x63: {  	_ =	shalt  }
0x64: {  	_ =	shalt  }
0x65: {  	_ =	shalt  }
0x66: {  	_ =	shalt  }
0x67: {  	_ =	shalt  }
0x68: {  	_ =	shalt  }
0x69: {  	_ =	shalt  }
0x6a: {  	_ =	shalt  }
0x6b: {  	_ =	shalt  }
0x6c: {  	_ =	shalt  }
0x6d: {  	_ =	shalt  }
0x6e: {  	_ =	shalt  }
0x6f: {  	_ =	shalt  }
0x70: {  	_ =	shalt  }
0x71: {  	_ =	shalt  }
0x72: {  	_ =	shalt  }
0x73: {  	_ =	shalt  }
0x74: {  	_ =	shalt  }
0x75: {  	_ =	shalt  }
0x76: {  	_ =	shalt  }
0x77: {  	_ =	shalt  }
0x78: {  	_ =	shalt  }
0x79: {  	_ =	shalt  }
0x7a: {  	_ =	shalt  }
0x7b: {  	_ =	shalt  }
0x7c: {  	_ =	shalt  }
0x7d: {  	_ =	shalt  }
0x7e: {  	_ =	shalt  }
0x7f: {  	_ =	shalt  }
0x80: {  	_ =	shalt  }
0x81: {  	_ =	shalt  }
0x82: {  	_ =	shalt  }
0x83: {  	_ =	shalt  }
0x84: {  	_ =	shalt  }
0x85: {  	_ =	shalt  }
0x86: {  	_ =	shalt  }
0x87: {  	_ =	shalt  }
.Lfunc_end0:
.L_simem_size_0:
called_computation_lowered:
.L_overlay_start_0:
0x88: {  	s2 =	sld [smem:$0x3FD9]  }
0x89: {  	s3 =	sld [smem:$0x3FFE];
	_ =	sdelay $0x1  }
0x8a: {  	s1 =	srdreg.scid  }
0x8b: {  	s0 =	sand.u32 $0x1, s1  }
0x8c: {  	s17 =	sshll.u32 s0, $0xA;
	s2 =	sadd.s32 s3, s2  }
0x8d: {  	s2 =	sadd.s32 s2, s17  }
0x8e: {  	[smem:$0x3FC5] =	sst s2  }
0x8f: {  	_ = 	snop  }
0x90: {  	s2 =	sld [smem:$0x3FC8];
	(tm) =	ssettm $0x1  }
0x91: {  	s18 =	sld [smem:$0x3FFB];
	_ =	sdelay $0x3  }
0x92: {  	_ =	strace s18  }
0x93: {  	s3 =	sld [smem:$0x3FFC];
	_ =	sdelay $0x3  }
0x94: {  	_ =	strace s3  }
0x95: {  	s3 =	sld [smem:$0x3FFD];
	_ =	sdelay $0x3  }
0x96: {  	_ =	strace s3  }
0x97: {  	_ =	strace $0x8FFFFFFF  }
0x98: {  	s19 =	sld [smem:$0x3FDB];
	_ =	sdelay $0x1  }
0x99: {  	s4 =	simm.s32 $_scs_section_size  }
0x9a: {  	s5 =	simm.s32 $_size__tile_overlayer_lowered;
	s6 =	simm.s32 $_tile_overlayer_lowered  }
0x9b: {  	s22 =	simm.s32 $0x1BFF;
	s21 =	sshll.u32 s6, $0x1;
	s3 =	sadd.s32 s4, s19  }
0x9c: {  	s7 =	simm.s32 $0x0;
	s20 =	sshll.u32 s5, $0x1;
	s5 =	sadd.s32 s21, s3  }
0x9d: {  	[timem:s7], [sflag:s22] =	dma.local [hbm:s5], s20  }
0x9e: {  	_ =	swait.ge [sflag:s22], s20  }
0x9f: {  	s4 =	ssub.s32 $0x0, s20;
	[sflag:s22] =	ssyncset.done $0x0  }
0xa0: {  	[sflag:s22] =	ssyncadd.s32 s4;
	_ =	sdelay $0x1  }
0xa1: {  	s23 =	simm.s32 $0x1B8B  }
0xa2: {  	_ =	swait.ge [sflag:s23], $0x1  }
0xa3: {  	[sflag:s23] =	ssyncset.done $0x0  }
0xa4: {  	s25 =	simm.s32 $0x1B8E;
	s24 =	sld [smem:$0x3FFE];
	[sflag:s23] =	ssyncadd.s32 $0xFFFFFFFF  }
0xa5: {  	s26 =	simm.s32 $execute0_lowered;
	[smem:$0x3FD2] =	sst s25  }
0xa6: {  	s5 =	sshll.u32 s26, $0x1;
	_ =	strace $0x80000046;
	[dreg:$0x1] =	wrdreg $0xFFFFFFFF  }
0xa7: {  	s28 =	simm.s32 $_size_execute0_lowered;
	s3 =	sadd.s32 s3, s5;
	[dreg:$0x0] =	wrdreg $0x0  }
0xa8: {  	s5 =	sshll.u32 s28, $0x1;
	[dreg:$0x2] =	wrdreg s3  }
0xa9: {  	[dreg:$0x3] =	wrdreg s5  }
0xaa: {  	[dreg:$0x4] =	wrdreg $0xC0  }
0xab: {  	_ =	task [dreg:s7], $0x5FFFF  }
0xac: {  	[dreg:$0x1] =	wrdreg $0xFFFFFFFF  }
0xad: {  	[dreg:$0x0] =	wrdreg $0x60  }
0xae: {  	[dreg:$0x2] =	wrdreg s24  }
0xaf: {  	[dreg:$0x3] =	wrdreg s2  }
0xb0: {  	[dreg:$0x4] =	wrdreg $0x9  }
0xb1: {  	_ =	task.clear_ibuf [dreg:s7], $0x5FFFF;
	_ =	strace $0x90000046  }
0xb2: {  	s29 =	simm.s32 $0x9;
	_ =	strace $0x80000048  }
0xb3: {  	_ =	swait.ge [sflag:s29], $0x1  }
0xb4: {  	[sflag:s29] =	ssyncadd.s32 $0xFFFFFFFF  }
0xb5: {  	_ =	strace $0x90000048  }
0xb6: {  	_ =	sfence  }
0xb7: {  	s30 =	sld [smem:$0x0];
	_ =	sdelay $0x2  }
0xb8: {  	s31 =	sshll.u32 s1, $0xD;
	s1 =	sshrl.u32 s1, $0x2  }
0xb9: {  	s3 =	sand.u32 $0x4000, s31;
	s1 =	sadd.s32 s1, s30  }
0xba: {  	s0 =	sor.u32 s3, s0;
	s1 =	sshll.u32 s1, $0x11  }
0xbb: {  	s0 =	sor.u32 s1, s0  }
0xbc: {  	s0 =	sadd.s32 $0x8F2B, s0  }
0xbd: {  	[sflag:s0] =	ssyncadd.remote.s32 $0x1  }
0xbe: {  	_ =	sfence.sel $0xFFFF  }
0xbf: {  	[dreg:$0x0] =	wrdreg $0xFFFFFFFF;
	(pc) =	sbr.abs _section_cstart, $3  }
0xc0: {  	[dreg:$0x1] =	wrdreg $0xFFFFFFFF  }
0xc1: {  	_ =	task.clear_ibuf [dreg:s7], $0x2FFFF;
	_ =	strace $0x9FFFFFFF  }
0xc2: {  	(tm) =	ssettm $0x7FFFFFFF  }
0xc3: {  	_ =	shalt  }
tec
execute0_lowered:
.L_overlay_start_1:
0x0: {  	(tag) =	ssettag $0x1  }
0x1: {  	s5 =	rddreg [dreg:$0x0]  }
0x2: {  	s6 =	rddreg [dreg:$0x1];
	s2 =	simm.s32 $0x0  }
0x3: {  	s3 =	srdreg.scid;
	s1 =	stileid.u32;
	s11 =	simm.s32 $0x200  }
0x4: {  	s12 =	simm.s32 $0x400;
	s13 =	simm.s32 $0x280;
	s14 =	simm.s32 $0x480  }
0x5: {  	s15 =	simm.s32 $0x100;
	s16 =	simm.s32 $0x300;
	s17 =	simm.s32 $0x500  }
0x6: {  	s18 =	simm.s32 $0x180;
	s19 =	simm.s32 $0x380;
	s20 =	simm.s32 $0x580  }
0x7: {  	s21 =	simm.s32 $0x1;
	s22 =	simm.s32 $0x600;
	s23 =	simm.s32 $0x2600  }
0x8: {  	s24 =	simm.s32 $0x2;
	s25 =	simm.s32 $0x0;
	[smem:$0x7FF] =	sst s2  }
0x9: {  	v0 =	vimm.s32 $0x0;
	s4 =	sand.u32 $0x1, s3;
	s7 =	sshll.u32 s1, $0x1;
	s3 =	sadd.s32 $0x3200, s5  }
0xa: {  	v1 =	vimm.s32 $0x1;
	v2 =	vimm.s32 $0x2;
	v3 =	vimm.s32 $0x3;
	_ =	strace $0x80000047;
	s7 =	sor.u32 s4, s7;
	s8 =	ssub.s32 $0x2, s4  }
0xb: {  	v4 =	vimm.s32 $0x4;
	v5 =	vimm.s32 $0x5;
	v6 =	vimm.s32 $0x6;
	s4 =	sadd.s32 $0x1200, s5;
	s9 =	sshll.u32 s7, $0xA;
	s10 =	sshrl.u32 s8, $0x1  }
0xc: {  	v7 =	vimm.s32 $0x7;
	v8 =	vimm.s32 $0x8;
	v9 =	vimm.s32 $0x9;
	s31 =	sshll.u32 s7, $0x6;
	s9 =	sadd.s32 s9, s5;
	s8 =	ssub.s32 s8, s10  }
0xd: {  	v10 =	vimm.s32 $0xA;
	v11 =	vimm.s32 $0xB;
	v12 =	vimm.s32 $0xC;
	s5 =	sadd.s32 s6, s31;
	s10 =	simm.s32 $0x80;
	s6 =	sadd.s32 $0x5200, s9  }
0xe: {  	v13 =	vimm.s32 $0xD;
	v14 =	vimm.s32 $0xE;
	v15 =	vimm.s32 $0xF;
	s7 =	sadd.s32 $0xD200, s9;
	s8 =	smax.u32 s8, $0x1;
	s9 =	simm.s32 $0x3  }
.LBB2_1:
0xf: {  	[tilespmem:s2], [sflag:$0x3] =	stream.linear.gather [hbm4b:s5+s2], $0x200, $0x38;
	[tilespmem:$0x4600] =	vst v63  }
0x10: {  	_ =	swait.ge [sflag:s9], $0x200  }
0x11: {  	[sflag:s9] =	ssyncset.done $0x0  }
0x12: {  	[sflag:s9] =	ssyncadd.s32 $0xFFFFFE00  }
0x13: {  	[tilespmem:s11], [sflag:$0x1] =	stream.indirect.gather [hbm4b:s3+s10], $0x1, s2, s10, $0xb8;
	[tilespmem:$0x4600] =	vst v63  }
0x14: {  	_ = 	snop  }
0x15: {  	[tilespmem:s12], [sflag:$0x1] =	stream.indirect.gather [hbm4b:s4+s10], $0x1, s2, s10, $0xb8;
	[tilespmem:$0x4600] =	vst v63  }
0x16: {  	_ = 	snop  }
0x17: {  	[tilespmem:s13], [sflag:$0x1] =	stream.indirect.gather [hbm4b:s3+s10], $0x1, s10, s10, $0xb8;
	[tilespmem:$0x4600] =	vst v63  }
0x18: {  	_ = 	snop  }
0x19: {  	[tilespmem:s14], [sflag:$0x1] =	stream.indirect.gather [hbm4b:s4+s10], $0x1, s10, s10, $0xb8;
	[tilespmem:$0x4600] =	vst v63  }
0x1a: {  	_ = 	snop  }
0x1b: {  	[tilespmem:s16], [sflag:$0x1] =	stream.indirect.gather [hbm4b:s3+s10], $0x1, s15, s10, $0xb8;
	[tilespmem:$0x4600] =	vst v63  }
0x1c: {  	_ = 	snop  }
0x1d: {  	[tilespmem:s17], [sflag:$0x1] =	stream.indirect.gather [hbm4b:s4+s10], $0x1, s15, s10, $0xb8;
	[tilespmem:$0x4600] =	vst v63  }
0x1e: {  	_ = 	snop  }
0x1f: {  	[tilespmem:s19], [sflag:$0x1] =	stream.indirect.gather [hbm4b:s3+s10], $0x1, s18, s10, $0xb8;
	[tilespmem:$0x4600] =	vst v63  }
0x20: {  	_ = 	snop  }
0x21: {  	[tilespmem:s20], [sflag:$0x1] =	stream.indirect.gather [hbm4b:s4+s10], $0x1, s18, s10, $0xb8;
	[tilespmem:$0x4600] =	vst v63  }
0x22: {  	_ =	swait.ge [sflag:s21], $0x80  }
0x23: {  	[sflag:s21] =	ssyncset.done $0x0  }
0x24: {  	[sflag:s21] =	ssyncadd.s32 $0xFFFFFF80  }
0x25: {  	_ =	swait.ge [sflag:s21], $0x80  }
0x26: {  	[sflag:s21] =	ssyncset.done $0x0  }
0x27: {  	[sflag:s21] =	ssyncadd.s32 $0xFFFFFF80  }
0x28: {  	_ =	swait.ge [sflag:s21], $0x80  }
0x29: {  	[sflag:s21] =	ssyncset.done $0x0  }
0x2a: {  	[sflag:s21] =	ssyncadd.s32 $0xFFFFFF80  }
0x2b: {  	_ =	swait.ge [sflag:s21], $0x80  }
0x2c: {  	[sflag:s21] =	ssyncset.done $0x0  }
0x2d: {  	[sflag:s21] =	ssyncadd.s32 $0xFFFFFF80  }
0x2e: {  	_ =	swait.ge [sflag:s21], $0x80  }
0x2f: {  	[sflag:s21] =	ssyncset.done $0x0  }
0x30: {  	[sflag:s21] =	ssyncadd.s32 $0xFFFFFF80  }
0x31: {  	_ =	swait.ge [sflag:s21], $0x80  }
0x32: {  	[sflag:s21] =	ssyncset.done $0x0  }
0x33: {  	[sflag:s21] =	ssyncadd.s32 $0xFFFFFF80  }
0x34: {  	_ =	swait.ge [sflag:s21], $0x80  }
0x35: {  	[sflag:s21] =	ssyncset.done $0x0  }
0x36: {  	[sflag:s21] =	ssyncadd.s32 $0xFFFFFF80  }
0x37: {  	_ =	swait.ge [sflag:s21], $0x80  }
0x38: {  	[sflag:s21] =	ssyncset.done $0x0  }
0x39: {  	s26 =	simm.s32 $0x0;
	[sflag:s21] =	ssyncadd.s32 $0xFFFFFF80  }
0x3a: {  	v16 =	vld [tilespmem:s26+$0x200]  }
0x3b: {  	v17 =	vld [tilespmem:s26+$0x400];
	_ =	sdelay $0x3  }
0x3c: {  	v18 =	vperm.xlane v16, v0  }
0x3d: {  	s28 =	simm.s32 $0x680;
	v19 =	vperm.xlane v17, v0  }
0x3e: {  	s26 =	simm.s32 $0x2680;
	[tilespmem:s28+$0xFFFFFF80] =	vst v18;
	v18 =	vperm.xlane v16, v1  }
0x3f: {  	[tilespmem:s26+$0xFFFFFF80] =	vst v19;
	v19 =	vperm.xlane v17, v1  }
0x40: {  	[tilespmem:s28+$0xFFFFFF90] =	vst v18;
	v18 =	vperm.xlane v16, v2  }
0x41: {  	[tilespmem:s26+$0xFFFFFF90] =	vst v19;
	v19 =	vperm.xlane v17, v2  }
0x42: {  	[tilespmem:s28+$0xFFFFFFA0] =	vst v18;
	v18 =	vperm.xlane v16, v3  }
0x43: {  	[tilespmem:s26+$0xFFFFFFA0] =	vst v19;
	v19 =	vperm.xlane v17, v3  }
0x44: {  	[tilespmem:s28+$0xFFFFFFB0] =	vst v18;
	v18 =	vperm.xlane v16, v4  }
0x45: {  	[tilespmem:s26+$0xFFFFFFB0] =	vst v19;
	v19 =	vperm.xlane v17, v4  }
0x46: {  	[tilespmem:s28+$0xFFFFFFC0] =	vst v18;
	v18 =	vperm.xlane v16, v5  }
0x47: {  	[tilespmem:s26+$0xFFFFFFC0] =	vst v19;
	v19 =	vperm.xlane v17, v5  }
0x48: {  	[tilespmem:s28+$0xFFFFFFD0] =	vst v18;
	v18 =	vperm.xlane v16, v6  }
0x49: {  	[tilespmem:s26+$0xFFFFFFD0] =	vst v19;
	v19 =	vperm.xlane v17, v6  }
0x4a: {  	[tilespmem:s28+$0xFFFFFFE0] =	vst v18;
	v18 =	vperm.xlane v16, v7  }
0x4b: {  	[tilespmem:s26+$0xFFFFFFE0] =	vst v19;
	v19 =	vperm.xlane v17, v7  }
0x4c: {  	[tilespmem:s28+$0xFFFFFFF0] =	vst v18;
	v18 =	vperm.xlane v16, v8  }
0x4d: {  	[tilespmem:s26+$0xFFFFFFF0] =	vst v19;
	v19 =	vperm.xlane v17, v8  }
0x4e: {  	[tilespmem:s28+$0x0] =	vst v18;
	v18 =	vperm.xlane v16, v9  }
0x4f: {  	[tilespmem:s26+$0x0] =	vst v19;
	v19 =	vperm.xlane v17, v9  }
0x50: {  	[tilespmem:s28+$0x10] =	vst v18;
	v18 =	vperm.xlane v16, v10  }
0x51: {  	[tilespmem:s26+$0x10] =	vst v19;
	v19 =	vperm.xlane v17, v10  }
0x52: {  	[tilespmem:s28+$0x20] =	vst v18;
	v18 =	vperm.xlane v16, v11  }
0x53: {  	[tilespmem:s26+$0x20] =	vst v19;
	v19 =	vperm.xlane v17, v11  }
0x54: {  	[tilespmem:s28+$0x30] =	vst v18;
	v18 =	vperm.xlane v16, v12  }
0x55: {  	[tilespmem:s26+$0x30] =	vst v19;
	v19 =	vperm.xlane v17, v12  }
0x56: {  	[tilespmem:s28+$0x40] =	vst v18;
	v18 =	vperm.xlane v16, v13  }
0x57: {  	[tilespmem:s26+$0x40] =	vst v19;
	v19 =	vperm.xlane v17, v13  }
0x58: {  	[tilespmem:s28+$0x50] =	vst v18;
	v18 =	vperm.xlane v16, v14  }
0x59: {  	[tilespmem:s26+$0x50] =	vst v19;
	v19 =	vperm.xlane v17, v14  }
0x5a: {  	[tilespmem:s28+$0x60] =	vst v18;
	v18 =	vperm.xlane v16, v15  }
0x5b: {  	[tilespmem:s26+$0x60] =	vst v19  }
0x5c: {  	s29 =	simm.s32 $0x40;
	s31 =	simm.s32 $0x80;
	v16 =	vperm.xlane v17, v15;
	[tilespmem:s28+$0x70] =	vst v18;
	s28 =	simm.s32 $0x780  }
.LBB2_2:
0x5d: {  	s0 =	sshra.s32 s29, $0x2  }
0x5e: {  	[tilespmem:s26+$0x70] =	vst v16;
	s26 =	sadd.s32 $0x100, s26;
	s29 =	smov.u32 s31;
	s30 =	sadd.s32 $0x40, s31  }
0x5f: {  	p0 =	sne.s32 s31, $0x7C0;
	v16 =	vld [tilespmem:s0+$0x200]  }
0x60: {  	v17 =	vld [tilespmem:s0+$0x400];
	_ =	sdelay $0x3  }
0x61: {  	v18 =	vperm.xlane v16, v0  }
0x62: {  	v19 =	vperm.xlane v17, v0  }
0x63: {  	[tilespmem:s28+$0xFFFFFF80] =	vst v18;
	v18 =	vperm.xlane v16, v1  }
0x64: {  	[tilespmem:s26+$0xFFFFFF80] =	vst v19;
	v19 =	vperm.xlane v17, v1  }
0x65: {  	[tilespmem:s28+$0xFFFFFF90] =	vst v18;
	v18 =	vperm.xlane v16, v2  }
0x66: {  	[tilespmem:s26+$0xFFFFFF90] =	vst v19;
	v19 =	vperm.xlane v17, v2  }
0x67: {  	[tilespmem:s28+$0xFFFFFFA0] =	vst v18;
	v18 =	vperm.xlane v16, v3  }
0x68: {  	[tilespmem:s26+$0xFFFFFFA0] =	vst v19;
	v19 =	vperm.xlane v17, v3  }
0x69: {  	[tilespmem:s28+$0xFFFFFFB0] =	vst v18;
	v18 =	vperm.xlane v16, v4  }
0x6a: {  	[tilespmem:s26+$0xFFFFFFB0] =	vst v19;
	v19 =	vperm.xlane v17, v4  }
0x6b: {  	[tilespmem:s28+$0xFFFFFFC0] =	vst v18;
	v18 =	vperm.xlane v16, v5  }
0x6c: {  	[tilespmem:s26+$0xFFFFFFC0] =	vst v19;
	v19 =	vperm.xlane v17, v5  }
0x6d: {  	[tilespmem:s28+$0xFFFFFFD0] =	vst v18;
	v18 =	vperm.xlane v16, v6  }
0x6e: {  	[tilespmem:s26+$0xFFFFFFD0] =	vst v19;
	v19 =	vperm.xlane v17, v6  }
0x6f: {  	[tilespmem:s28+$0xFFFFFFE0] =	vst v18;
	v18 =	vperm.xlane v16, v7  }
0x70: {  	[tilespmem:s26+$0xFFFFFFE0] =	vst v19;
	v19 =	vperm.xlane v17, v7  }
0x71: {  	[tilespmem:s28+$0xFFFFFFF0] =	vst v18;
	v18 =	vperm.xlane v16, v8  }
0x72: {  	[tilespmem:s26+$0xFFFFFFF0] =	vst v19;
	v19 =	vperm.xlane v17, v8  }
0x73: {  	[tilespmem:s28+$0x0] =	vst v18;
	v18 =	vperm.xlane v16, v9  }
0x74: {  	[tilespmem:s26+$0x0] =	vst v19;
	v19 =	vperm.xlane v17, v9  }
0x75: {  	[tilespmem:s28+$0x10] =	vst v18;
	v18 =	vperm.xlane v16, v10  }
0x76: {  	[tilespmem:s26+$0x10] =	vst v19;
	v19 =	vperm.xlane v17, v10  }
0x77: {  	[tilespmem:s28+$0x20] =	vst v18;
	v18 =	vperm.xlane v16, v11  }
0x78: {  	[tilespmem:s26+$0x20] =	vst v19;
	v19 =	vperm.xlane v17, v11  }
0x79: {  	[tilespmem:s28+$0x30] =	vst v18;
	v18 =	vperm.xlane v16, v12  }
0x7a: {  	[tilespmem:s26+$0x30] =	vst v19;
	v19 =	vperm.xlane v17, v12  }
0x7b: {  	[tilespmem:s28+$0x40] =	vst v18;
	v18 =	vperm.xlane v16, v13  }
0x7c: {  	[tilespmem:s26+$0x40] =	vst v19;
	v19 =	vperm.xlane v17, v13  }
.Ltmp0:
0x7d: {  	[tilespmem:s28+$0x50] =	vst v18;
	v18 =	vperm.xlane v16, v14;
	(pc) =	sbr.rel @p0 .LBB2_2-.Ltmp0, $4  }
0x7e: {  	[tilespmem:s26+$0x50] =	vst v19;
	v19 =	vperm.xlane v17, v14  }
0x7f: {  	[tilespmem:s28+$0x60] =	vst v18;
	v18 =	vperm.xlane v16, v15  }
0x80: {  	v16 =	vperm.xlane v17, v15;
	[tilespmem:s26+$0x60] =	vst v19  }
0x81: {  	s31 =	smov.u32 s30;
	[tilespmem:s28+$0x70] =	vst v18;
	s28 =	sadd.s32 $0x100, s28  }
0x82: {  	s0 =	sshra.s32 s29, $0x2;
	[tilespmem:s26+$0x70] =	vst v16  }
0x83: {  	v16 =	vld [tilespmem:s0+$0x200]  }
0x84: {  	v17 =	vld [tilespmem:s0+$0x400];
	_ =	sdelay $0x3  }
0x85: {  	v18 =	vperm.xlane v16, v0  }
0x86: {  	v19 =	vperm.xlane v17, v0  }
0x87: {  	s31 =	sadd.s32 $0x100, s26;
	v36 =	vperm.xlane v16, v1;
	[tilespmem:s28+$0xFFFFFF80] =	vst v18  }
0x88: {  	v37 =	vperm.xlane v17, v1;
	[tilespmem:s31+$0xFFFFFF80] =	vst v19  }
0x89: {  	v38 =	vperm.xlane v16, v2;
	[tilespmem:s28+$0xFFFFFF90] =	vst v36  }
0x8a: {  	v39 =	vperm.xlane v17, v2;
	[tilespmem:s31+$0xFFFFFF90] =	vst v37  }
0x8b: {  	v40 =	vperm.xlane v16, v3;
	[tilespmem:s28+$0xFFFFFFA0] =	vst v38  }
0x8c: {  	v41 =	vperm.xlane v17, v3;
	[tilespmem:s31+$0xFFFFFFA0] =	vst v39  }
0x8d: {  	v42 =	vperm.xlane v16, v4;
	[tilespmem:s28+$0xFFFFFFB0] =	vst v40  }
0x8e: {  	v43 =	vperm.xlane v17, v4;
	[tilespmem:s31+$0xFFFFFFB0] =	vst v41  }
0x8f: {  	v44 =	vperm.xlane v16, v5;
	[tilespmem:s28+$0xFFFFFFC0] =	vst v42  }
0x90: {  	v45 =	vperm.xlane v17, v5;
	[tilespmem:s31+$0xFFFFFFC0] =	vst v43  }
0x91: {  	v46 =	vperm.xlane v16, v6;
	[tilespmem:s28+$0xFFFFFFD0] =	vst v44  }
0x92: {  	v47 =	vperm.xlane v17, v6;
	[tilespmem:s31+$0xFFFFFFD0] =	vst v45  }
0x93: {  	v48 =	vperm.xlane v16, v7;
	[tilespmem:s28+$0xFFFFFFE0] =	vst v46  }
0x94: {  	v49 =	vperm.xlane v17, v7;
	[tilespmem:s31+$0xFFFFFFE0] =	vst v47  }
0x95: {  	v50 =	vperm.xlane v16, v8;
	[tilespmem:s28+$0xFFFFFFF0] =	vst v48  }
0x96: {  	v51 =	vperm.xlane v17, v8;
	[tilespmem:s31+$0xFFFFFFF0] =	vst v49  }
0x97: {  	v52 =	vperm.xlane v16, v9;
	[tilespmem:s28+$0x0] =	vst v50  }
0x98: {  	v53 =	vperm.xlane v17, v9;
	[tilespmem:s31+$0x0] =	vst v51  }
0x99: {  	v54 =	vperm.xlane v16, v10;
	[tilespmem:s28+$0x10] =	vst v52  }
0x9a: {  	v55 =	vperm.xlane v17, v10;
	[tilespmem:s31+$0x10] =	vst v53  }
0x9b: {  	v56 =	vperm.xlane v16, v11;
	[tilespmem:s28+$0x20] =	vst v54  }
0x9c: {  	v57 =	vperm.xlane v17, v11;
	[tilespmem:s31+$0x20] =	vst v55  }
0x9d: {  	v58 =	vperm.xlane v16, v12;
	[tilespmem:s28+$0x30] =	vst v56  }
0x9e: {  	v59 =	vperm.xlane v17, v12;
	[tilespmem:s31+$0x30] =	vst v57  }
0x9f: {  	v60 =	vperm.xlane v16, v13;
	[tilespmem:s28+$0x40] =	vst v58  }
0xa0: {  	v61 =	vperm.xlane v17, v13;
	[tilespmem:s31+$0x40] =	vst v59  }
0xa1: {  	v62 =	vperm.xlane v16, v14;
	[tilespmem:s28+$0x50] =	vst v60  }
0xa2: {  	v63 =	vperm.xlane v17, v14;
	[tilespmem:s31+$0x50] =	vst v61  }
0xa3: {  	v16 =	vperm.xlane v16, v15;
	[tilespmem:s28+$0x60] =	vst v62  }
0xa4: {  	v17 =	vperm.xlane v17, v15;
	[tilespmem:s31+$0x60] =	vst v63  }
0xa5: {  	[tilespmem:s28+$0x70] =	vst v16  }
0xa6: {  	[tilespmem:s31+$0x70] =	vst v17  }
0xa7: {  	[hbm4b:s6+s2] =	stream.linear.scatter [tilespmem:s22], [sflag:$0x2], $0x2000, $0x38;
	[tilespmem:$0x4600] =	vst v63  }
0xa8: {  	s25 =	sadd.s32 $0x1, s25  }
0xa9: {  	[hbm4b:s7+s2] =	stream.linear.scatter [tilespmem:s23], [sflag:$0x2], $0x2000, $0x38;
	[tilespmem:$0x4600] =	vst v63  }
0xaa: {  	p0 =	sne.s32 s25, s8;
	_ =	swait.ge [sflag:s24], $0x2000  }
.Ltmp1:
0xab: {  	[sflag:s24] =	ssyncset.done $0x0;
	(pc) =	sbr.rel @p0 .LBB2_1-.Ltmp1, $4  }
0xac: {  	[sflag:s24] =	ssyncadd.s32 $0xFFFFE000  }
0xad: {  	_ =	swait.ge [sflag:s24], $0x2000  }
0xae: {  	[sflag:s24] =	ssyncset.done $0x0  }
0xaf: {  	[sflag:s24] =	ssyncadd.s32 $0xFFFFE000  }
0xb0: {  	_ =	sfence.sel $0x180000  }
0xb1: {  	[bflag:$0x0] =	sbarrier.arrive $0xFFFF  }
0xb2: {  	_ =	strace $0x90000047  }
0xb3: {  	[bflag:$0x2] =	sbarrier.arrive $0xFFFF  }
0xb4: {  	p0 =	sne.s32 s1, $0x0;
	s0 =	rddreg [dreg:$0x2]  }
0xb5: {  	s0 =	sadd.s32 @!p0 $0x100000, s0  }
0xb6: {  	[sflag:s0] =	ssyncadd.tile.s32 @!p0 $0x1;
	_ =	shalt  }
.Lfunc_end2:
_tile_overlayer_lowered:
.L_overlay_start_2:
0xb7: {  	(tag) =	ssettag $0x2  }
0xb8: {  	s0 =	rddreg [dreg:$0x0];
	s2 =	stileid.u32  }
0xb9: {  	s1 =	rddreg [dreg:$0x1];
	p0 =	sne.s32 s2, $0x0  }
0xba: {  	s3 =	rddreg [dreg:$0x2];
	[bflag:$0x3] =	sbarrier.arrive $0xFFFF;
	s2 =	simm.s32 @!p0 $0x1C03  }
0xbb: {  	[timem:s3], [sflag:s2] =	dma.local @!p0 [hbm:s0], s1  }
0xbc: {  	s0 =	simm.s32 @!p0 $0x3  }
0xbd: {  	_ =	swait.ge @!p0 [sflag:s0], s1  }
0xbe: {  	s1 =	ssub.s32 @!p0 $0x0, s1;
	[sflag:s0] =	ssyncset.done @!p0 $0x0  }
0xbf: {  	[sflag:s0] =	ssyncadd.s32 @!p0 s1  }
0xc0: {  	[bflag:$0x3] =	sbarrier.arrive $0xFFFF  }
0xc1: {  	_ =	shalt  }

</sc_bundles>
